<compile_context>
chip_gen: v7x
topology: tpu7x:2x2x1
jax: 0.10.2.dev20260603
libtpu: 0.0.44.dev20260713+nightly
codegen_flags: <defaults>
</compile_context>

<pallas_src>
import functools

import jax
import jax.numpy as jnp
from jax import lax
from jax.experimental import pallas as pl
from jax.experimental.pallas import tpu as pltpu
from jax.experimental.pallas import tpu_sc as plsc

N_ATOMS = 100000
D_FEAT = 256
D_HIDDEN = 256
N_MOLS = 4096

NW = 32
L = 16
CHUNK = 3136
NV = CHUNK // L
TAIL = N_ATOMS - (NW - 1) * CHUNK
TAIL_NV = TAIL // L
ACC = N_MOLS + L
MB = N_MOLS // NW

ATOM_BLOCK = 14336
N_BLOCKS = -(-N_ATOMS // ATOM_BLOCK)


def _mlp_body(via_ref, vib_ref, w1_ref, b1_ref, w2_ref, b2_ref, out_ref):
    w1 = w1_ref[...]
    w2 = w2_ref[...]
    b1 = b1_ref[...]
    b2 = b2_ref[0, 0]
    half = ATOM_BLOCK // 2
    for k, x_ref in enumerate((via_ref, vib_ref)):
        x = x_ref[...]
        h = jnp.dot(x, w1, preferred_element_type=jnp.float32)
        h = jnp.maximum(h + b1, 0.0)
        p = jax.lax.dot_general(
            w2,
            h,
            dimension_numbers=(((1,), (1,)), ((), ())),
            preferred_element_type=jnp.float32,
        )
        out_ref[pl.ds(k * half, half)] = p[0, :] + b2


def _mlp(vi, W1, b1, W2, b2):
    half = ATOM_BLOCK // 2
    return pl.pallas_call(
        _mlp_body,
        grid=(N_BLOCKS,),
        in_specs=[
            pl.BlockSpec((half, D_FEAT), lambda i: (2 * i, 0)),
            pl.BlockSpec((half, D_FEAT), lambda i: (2 * i + 1, 0)),
            pl.BlockSpec((D_FEAT, D_HIDDEN), lambda i: (0, 0)),
            pl.BlockSpec((1, D_HIDDEN), lambda i: (0, 0)),
            pl.BlockSpec((1, D_HIDDEN), lambda i: (0, 0)),
            pl.BlockSpec((1, 1), lambda i: (0, 0)),
        ],
        out_specs=pl.BlockSpec((ATOM_BLOCK,), lambda i: (i,)),
        out_shape=jax.ShapeDtypeStruct((N_ATOMS,), jnp.float32),
        compiler_params=pltpu.CompilerParams(vmem_limit_bytes=128 * 1024 * 1024),
    )(vi, vi, W1, b1.reshape(1, D_HIDDEN), W2.reshape(1, D_HIDDEN), b2.reshape(1, 1))


def _sc_mesh():
    return plsc.VectorSubcoreMesh(
        core_axis_name="c", subcore_axis_name="s", num_cores=2, num_subcores=16
    )


def _pool_partial(idx, val):

    @functools.partial(
        pl.kernel,
        out_type=(
            jax.ShapeDtypeStruct((NW, N_MOLS), jnp.float32),
            jax.ShapeDtypeStruct((NW, N_MOLS), jnp.float32),
        ),
        mesh=_sc_mesh(),
        compiler_params=pltpu.CompilerParams(needs_layout_passes=False),
        scratch_types=[
            pltpu.VMEM((CHUNK,), jnp.int32),
            pltpu.VMEM((CHUNK,), jnp.float32),
            pltpu.VMEM((ACC,), jnp.float32),
            pltpu.VMEM((ACC,), jnp.float32),
            pltpu.VMEM((ACC,), jnp.float32),
            pltpu.VMEM((ACC,), jnp.float32),
        ],
    )
    def body(idx_hbm, val_hbm, psum_hbm, pcnt_hbm, idx_v, val_v, se, ss, pe, ps):
        wid = lax.axis_index("s") * 2 + lax.axis_index("c")
        base = wid * CHUNK
        last = wid == NW - 1
        pltpu.sync_copy(idx_hbm.at[pl.ds(base, TAIL)], idx_v.at[pl.ds(0, TAIL)])
        pltpu.sync_copy(val_hbm.at[pl.ds(base, TAIL)], val_v.at[pl.ds(0, TAIL)])

        @pl.when(jnp.logical_not(last))
        def _():
            pltpu.sync_copy(
                idx_hbm.at[pl.ds(base + TAIL, CHUNK - TAIL)],
                idx_v.at[pl.ds(TAIL, CHUNK - TAIL)],
            )
            pltpu.sync_copy(
                val_hbm.at[pl.ds(base + TAIL, CHUNK - TAIL)],
                val_v.at[pl.ds(TAIL, CHUNK - TAIL)],
            )

        zero = jnp.zeros((L,), jnp.float32)
        pad_d = jnp.full((L,), N_MOLS, jnp.int32)

        @pl.when(last)
        def _():
            def pbody(i, _):
                sl = pl.ds(TAIL + i * L, L)
                idx_v[sl] = pad_d
                val_v[sl] = zero
                return 0

            lax.fori_loop(0, NV - TAIL_NV, pbody, 0, unroll=True)

        def zbody(i, _):
            sl = pl.ds(i * L, L)
            se[sl] = zero
            ss[sl] = zero
            pe[sl] = zero
            ps[sl] = zero
            return 0

        lax.fori_loop(0, ACC // L, zbody, 0)

        lanes = lax.iota(jnp.int32, L)
        perm_next = jnp.minimum(lanes + 1, L - 1)
        perm_prev = jnp.maximum(lanes - 1, 0)
        lane_last = jnp.full((L,), L - 1, jnp.int32)

        def vbody(j, carry):
            carry_c, prev_d = carry
            sl = pl.ds(j * L, L)
            d = idx_v[sl]
            v = val_v[sl]
            d_next = jnp.where(
                lanes == L - 1,
                -1,
                jnp.take_along_axis(d, perm_next, axis=0, mode="promise_in_bounds"),
            )
            d_prev = jnp.where(
                lanes == 0,
                prev_d,
                jnp.take_along_axis(d, perm_prev, axis=0, mode="promise_in_bounds"),
            )
            end_m = d != d_next
            start_m = d != d_prev
            c = plsc.cumsum(v) + carry_c
            excl = c - v
            pos = (base + j * L + lanes).astype(jnp.float32)
            plsc.store_scatter(se, [d], c, mask=end_m)
            plsc.store_scatter(ss, [d], excl, mask=start_m)
            plsc.store_scatter(pe, [d], pos + 1.0, mask=end_m)
            plsc.store_scatter(ps, [d], pos, mask=start_m)
            new_c = jnp.take_along_axis(c, lane_last, axis=0, mode="promise_in_bounds")
            new_d = jnp.take_along_axis(d, lane_last, axis=0, mode="promise_in_bounds")
            return (new_c, new_d)

        lax.fori_loop(
            0, NV, vbody, (zero, jnp.full((L,), -1, jnp.int32))
        )

        def dbody(i, _):
            sl = pl.ds(i * L, L)
            se[sl] = se[sl] - ss[sl]
            pe[sl] = pe[sl] - ps[sl]
            return 0

        lax.fori_loop(0, N_MOLS // L, dbody, 0)

        pltpu.sync_copy(se.at[pl.ds(0, N_MOLS)], psum_hbm.at[wid])
        pltpu.sync_copy(pe.at[pl.ds(0, N_MOLS)], pcnt_hbm.at[wid])

    return body(idx, val)


def _pool_combine(psum, pcnt):

    @functools.partial(
        pl.kernel,
        out_type=jax.ShapeDtypeStruct((N_MOLS,), jnp.float32),
        mesh=_sc_mesh(),
        compiler_params=pltpu.CompilerParams(needs_layout_passes=False),
        scratch_types=[
            pltpu.VMEM((NW, MB), jnp.float32),
            pltpu.VMEM((NW, MB), jnp.float32),
            pltpu.VMEM((MB,), jnp.float32),
        ],
    )
    def body(psum_hbm, pcnt_hbm, out_hbm, s_v, c_v, o_v):
        wid = lax.axis_index("s") * 2 + lax.axis_index("c")
        col = wid * MB
        pltpu.sync_copy(psum_hbm.at[:, pl.ds(col, MB)], s_v)
        pltpu.sync_copy(pcnt_hbm.at[:, pl.ds(col, MB)], c_v)

        zero = jnp.zeros((L,), jnp.float32)

        def gbody(g, _):
            sl = pl.ds(g * L, L)

            def rbody(r, acc):
                sa, ca = acc
                return (sa + s_v[r, sl], ca + c_v[r, sl])

            s, c = lax.fori_loop(0, NW, rbody, (zero, zero))
            o_v[sl] = s / jnp.maximum(c, 1.0)
            return 0

        lax.fori_loop(0, MB // L, gbody, 0)
        pltpu.sync_copy(o_v, out_hbm.at[pl.ds(col, MB)])

    return body(psum, pcnt)


def kernel(vi, atom_mol_batch, W1, b1, W2, b2):
    atom_prop = _mlp(vi, W1, b1, W2, b2)
    psum, pcnt = _pool_partial(atom_mol_batch.astype(jnp.int32), atom_prop)
    mol_prop = _pool_combine(psum, pcnt)
    return mol_prop[:, None]

# --- scband reference (transcript-rebuilt; emitter-appended) ---
"""Pipeline reference for scband-readout-pooling-32195074851220 (READ-ONLY COPY).

The authoritative reference and input builder live on the scoring server;
editing this copy changes nothing except your own understanding.
"""

import jax, jax.numpy as jnp
import numpy as np

N_ATOMS = 100000
D_FEAT = 256
D_HIDDEN = 256
D_OUT = 1
N_MOLS = 4096

def setup_inputs(seed: int = 0) -> dict:
    key = jax.random.key(seed)
    k1, k2, k3, k4, k5, k6 = jax.random.split(key, 6)
    vi = jax.random.normal(k1, (N_ATOMS, D_FEAT), dtype=jnp.float32)
    atom_mol_batch = jnp.sort(jax.random.randint(k2, (N_ATOMS,), 0, N_MOLS))
    W1 = jax.random.normal(k3, (D_FEAT, D_HIDDEN), dtype=jnp.float32) * (1.0 / np.sqrt(D_FEAT))
    b1 = jnp.zeros((D_HIDDEN,), dtype=jnp.float32)
    W2 = jax.random.normal(k4, (D_HIDDEN, D_OUT), dtype=jnp.float32) * (1.0 / np.sqrt(D_HIDDEN))
    b2 = jnp.zeros((D_OUT,), dtype=jnp.float32)
    return {"vi": vi, "atom_mol_batch": atom_mol_batch, "W1": W1, "b1": b1, "W2": W2, "b2": b2}

def reference(vi, atom_mol_batch, W1, b1, W2, b2):
    # readout_layer ('lin' readout: linear -> activation -> linear)
    h = jax.nn.relu(vi @ W1 + b1)
    atom_prop = h @ W2 + b2
    # scatter(reduce='mean', src=atom_prop, index=atom_mol_batch, dim=0)
    seg_sum = jax.ops.segment_sum(atom_prop, atom_mol_batch, num_segments=N_MOLS)
    counts = jax.ops.segment_sum(jnp.ones((atom_prop.shape[0],), dtype=jnp.float32), atom_mol_batch, num_segments=N_MOLS)
    mol_prop = seg_sum / jnp.maximum(counts, 1.0)[:, None]
    return mol_prop

if __name__ == "__main__":
    import jax
    _d = setup_inputs()
    print(jax.jit(kernel)(*tuple(_d.values())))

</pallas_src>

<mosaic_0001>
#map = affine_map<(d0, d1) -> (0, 0)>
#map1 = affine_map<(d0, d1) -> (0)>
module attributes {stable_mosaic.version = 14 : i64} {
  func.func @body(%arg0: i32, %arg1: i32, %arg2: memref<32x4096xf32, #tpu.memory_space<hbm>>, %arg3: memref<32x4096xf32, #tpu.memory_space<hbm>>, %arg4: memref<4096xf32, #tpu.memory_space<hbm>>, %arg5: memref<32x128xf32, #tpu.memory_space<vmem>>, %arg6: memref<32x128xf32, #tpu.memory_space<vmem>>, %arg7: memref<128xf32, #tpu.memory_space<vmem>>) attributes {dimension_semantics = [#tpu.dimension_semantics<core_parallel>, #tpu.dimension_semantics<subcore_parallel>], iteration_bounds = array<i64: 2, 16>, scalar_prefetch = 0 : i64, scratch_operands = 3 : i64, tpu.core_type = #tpu.core_type<sc_vector_subcore>, window_params = [{transform_indices = #map}, {transform_indices = #map}, {transform_indices = #map1}]} {
    %mul3A = arith.constant 2 : i32
    %mul3A_0 = arith.muli %arg1, %mul3A : i32
    %add3A = arith.addi %mul3A_0, %arg0 : i32
    %mul3A_1 = arith.constant 128 : i32
    %mul3A_2 = arith.muli %add3A, %mul3A_1 : i32
    "tpu.region"() ({
      %run_scoped3A = tpu.sem_alloc : memref<!tpu.dma_semaphore, #tpu.memory_space<semaphore_mem>>
      %dma_start3A = arith.constant 0 : i32
      %dma_start3A_10 = tpu.memref_slice %arg2[%dma_start3A, %mul3A_2] : memref<32x4096xf32, #tpu.memory_space<hbm>> -> memref<32x128xf32, #tpu.memory_space<hbm>>
      %dma_start3A_11 = arith.constant 0 : i32
      %dma_start3A_12 = tpu.memref_slice %arg2[%dma_start3A_11, %mul3A_2] : memref<32x4096xf32, #tpu.memory_space<hbm>> -> memref<32x128xf32, #tpu.memory_space<hbm>>
      tpu.enqueue_dma source(%dma_start3A_12 : memref<32x128xf32, #tpu.memory_space<hbm>>) target(%arg5 : memref<32x128xf32, #tpu.memory_space<vmem>>) target_semaphore(%run_scoped3A : memref<!tpu.dma_semaphore, #tpu.memory_space<semaphore_mem>>)
      %dma_wait3A = arith.constant 0 : i32
      %dma_wait3A_13 = tpu.memref_slice %arg2[%dma_wait3A, %mul3A_2] : memref<32x4096xf32, #tpu.memory_space<hbm>> -> memref<32x128xf32, #tpu.memory_space<hbm>>
      %dma_wait3A_14 = arith.constant 0 : i32
      %dma_wait3A_15 = tpu.memref_slice %arg2[%dma_wait3A_14, %mul3A_2] : memref<32x4096xf32, #tpu.memory_space<hbm>> -> memref<32x128xf32, #tpu.memory_space<hbm>>
      tpu.wait_dma2 semaphore(%run_scoped3A : memref<!tpu.dma_semaphore, #tpu.memory_space<semaphore_mem>>) src(%dma_wait3A_15 : memref<32x128xf32, #tpu.memory_space<hbm>>) dst(%arg5 : memref<32x128xf32, #tpu.memory_space<vmem>>)
      tpu.yield
    }) : () -> ()
    "tpu.region"() ({
      %run_scoped3A = tpu.sem_alloc : memref<!tpu.dma_semaphore, #tpu.memory_space<semaphore_mem>>
      %dma_start3A = arith.constant 0 : i32
      %dma_start3A_10 = tpu.memref_slice %arg3[%dma_start3A, %mul3A_2] : memref<32x4096xf32, #tpu.memory_space<hbm>> -> memref<32x128xf32, #tpu.memory_space<hbm>>
      %dma_start3A_11 = arith.constant 0 : i32
      %dma_start3A_12 = tpu.memref_slice %arg3[%dma_start3A_11, %mul3A_2] : memref<32x4096xf32, #tpu.memory_space<hbm>> -> memref<32x128xf32, #tpu.memory_space<hbm>>
      tpu.enqueue_dma source(%dma_start3A_12 : memref<32x128xf32, #tpu.memory_space<hbm>>) target(%arg6 : memref<32x128xf32, #tpu.memory_space<vmem>>) target_semaphore(%run_scoped3A : memref<!tpu.dma_semaphore, #tpu.memory_space<semaphore_mem>>)
      %dma_wait3A = arith.constant 0 : i32
      %dma_wait3A_13 = tpu.memref_slice %arg3[%dma_wait3A, %mul3A_2] : memref<32x4096xf32, #tpu.memory_space<hbm>> -> memref<32x128xf32, #tpu.memory_space<hbm>>
      %dma_wait3A_14 = arith.constant 0 : i32
      %dma_wait3A_15 = tpu.memref_slice %arg3[%dma_wait3A_14, %mul3A_2] : memref<32x4096xf32, #tpu.memory_space<hbm>> -> memref<32x128xf32, #tpu.memory_space<hbm>>
      tpu.wait_dma2 semaphore(%run_scoped3A : memref<!tpu.dma_semaphore, #tpu.memory_space<semaphore_mem>>) src(%dma_wait3A_15 : memref<32x128xf32, #tpu.memory_space<hbm>>) dst(%arg6 : memref<32x128xf32, #tpu.memory_space<vmem>>)
      tpu.yield
    }) : () -> ()
    %broadcast_in_dim3A = arith.constant 0.000000e+00 : f32
    %broadcast_in_dim3A_3 = vector.broadcast %broadcast_in_dim3A : f32 to vector<16xf32>
    %scan3A = arith.constant 0 : i32
    %scan3A_4 = arith.constant 0 : i32
    %scan3A_5 = arith.constant 8 : i32
    %scan3A_6 = arith.addi %scan3A_4, %scan3A_5 : i32
    %scan3A_7 = arith.constant 1 : i32
    %scan3A_8 = scf.for %scan3A_10 = %scan3A_4 to %scan3A_6 step %scan3A_7 iter_args(%scan3A_11 = %scan3A) -> (i32)  : i32 {
      %mul3A_12 = arith.constant 16 : i32
      %mul3A_13 = arith.muli %scan3A_10, %mul3A_12 : i32
      %scan3A_14 = arith.constant 0 : i32
      %scan3A_15 = arith.constant 32 : i32
      %scan3A_16 = arith.addi %scan3A_14, %scan3A_15 : i32
      %scan3A_17 = arith.constant 1 : i32
      %scan3A_18:2 = scf.for %scan3A_24 = %scan3A_14 to %scan3A_16 step %scan3A_17 iter_args(%scan3A_25 = %broadcast_in_dim3A_3, %scan3A_26 = %broadcast_in_dim3A_3) -> (vector<16xf32>, vector<16xf32>)  : i32 {
        %get3A = arith.index_cast %scan3A_24 : i32 to index
        %get3A_27 = arith.index_cast %mul3A_13 : i32 to index
        %get3A_28 = tpu.vector_load %arg5[%get3A, %get3A_27] {strides = array<i32>} : memref<32x128xf32, #tpu.memory_space<vmem>>, vector<16xf32>,
        %add3A_29 = arith.addf %scan3A_25, %get3A_28 : vector<16xf32>
        %get3A_30 = arith.index_cast %scan3A_24 : i32 to index
        %get3A_31 = arith.index_cast %mul3A_13 : i32 to index
        %get3A_32 = tpu.vector_load %arg6[%get3A_30, %get3A_31] {strides = array<i32>} : memref<32x128xf32, #tpu.memory_space<vmem>>, vector<16xf32>,
        %add3A_33 = arith.addf %scan3A_26, %get3A_32 : vector<16xf32>
        scf.yield %add3A_29, %add3A_33 : vector<16xf32>, vector<16xf32>
      }
      %scan3A_19 = arith.constant 32 : i32
      %max3A = arith.constant 1.000000e+00 : f32
      %max3A_20 = vector.broadcast %max3A : f32 to vector<16xf32>
      %max3A_21 = arith.maximumf %scan3A_18#1, %max3A_20 : vector<16xf32>
      %div3A = arith.divf %scan3A_18#0, %max3A_21 : vector<16xf32>
      %swap3A = arith.index_cast %mul3A_13 : i32 to index
      %swap3A_22 = tpu.vector_load %arg7[%swap3A] {strides = array<i32>} : memref<128xf32, #tpu.memory_space<vmem>>, vector<16xf32>,
      tpu.vector_store %arg7[%swap3A], %div3A {strides = array<i32>} : memref<128xf32, #tpu.memory_space<vmem>>, vector<16xf32>,
      %scan3A_23 = arith.constant 0 : i32
      scf.yield %scan3A_23 : i32
    }
    %scan3A_9 = arith.constant 8 : i32
    "tpu.region"() ({
      %run_scoped3A = tpu.sem_alloc : memref<!tpu.dma_semaphore, #tpu.memory_space<semaphore_mem>>
      %dma_start3A = tpu.memref_slice %arg4[%mul3A_2] : memref<4096xf32, #tpu.memory_space<hbm>> -> memref<128xf32, #tpu.memory_space<hbm>>
      %dma_start3A_10 = tpu.memref_slice %arg4[%mul3A_2] : memref<4096xf32, #tpu.memory_space<hbm>> -> memref<128xf32, #tpu.memory_space<hbm>>
      tpu.enqueue_dma source(%arg7 : memref<128xf32, #tpu.memory_space<vmem>>) target(%dma_start3A_10 : memref<128xf32, #tpu.memory_space<hbm>>) target_semaphore(%run_scoped3A : memref<!tpu.dma_semaphore, #tpu.memory_space<semaphore_mem>>)
      %dma_wait3A = tpu.memref_slice %arg4[%mul3A_2] : memref<4096xf32, #tpu.memory_space<hbm>> -> memref<128xf32, #tpu.memory_space<hbm>>
      %dma_wait3A_11 = tpu.memref_slice %arg4[%mul3A_2] : memref<4096xf32, #tpu.memory_space<hbm>> -> memref<128xf32, #tpu.memory_space<hbm>>
      tpu.wait_dma2 semaphore(%run_scoped3A : memref<!tpu.dma_semaphore, #tpu.memory_space<semaphore_mem>>) src(%arg7 : memref<128xf32, #tpu.memory_space<vmem>>) dst(%dma_wait3A_11 : memref<128xf32, #tpu.memory_space<hbm>>)
      tpu.yield
    }) : () -> ()
    return
  }
}

#map = affine_map<(d0, d1) -> (0)>
#map1 = affine_map<(d0, d1) -> (0, 0)>
module attributes {stable_mosaic.version = 14 : i64} {
  func.func @body(%arg0: i32, %arg1: i32, %arg2: memref<100000xi32, #tpu.memory_space<hbm>>, %arg3: memref<100000xf32, #tpu.memory_space<hbm>>, %arg4: memref<32x4096xf32, #tpu.memory_space<hbm>>, %arg5: memref<32x4096xf32, #tpu.memory_space<hbm>>, %arg6: memref<3136xi32, #tpu.memory_space<vmem>>, %arg7: memref<3136xf32, #tpu.memory_space<vmem>>, %arg8: memref<4112xf32, #tpu.memory_space<vmem>>, %arg9: memref<4112xf32, #tpu.memory_space<vmem>>, %arg10: memref<4112xf32, #tpu.memory_space<vmem>>, %arg11: memref<4112xf32, #tpu.memory_space<vmem>>) attributes {dimension_semantics = [#tpu.dimension_semantics<core_parallel>, #tpu.dimension_semantics<subcore_parallel>], iteration_bounds = array<i64: 2, 16>, scalar_prefetch = 0 : i64, scratch_operands = 6 : i64, tpu.core_type = #tpu.core_type<sc_vector_subcore>, window_params = [{transform_indices = #map}, {transform_indices = #map}, {transform_indices = #map1}, {transform_indices = #map1}]} {
    %mul3A = arith.constant 2 : i32
    %mul3A_0 = arith.muli %arg1, %mul3A : i32
    %add3A = arith.addi %mul3A_0, %arg0 : i32
    %mul3A_1 = arith.constant 3136 : i32
    %mul3A_2 = arith.muli %add3A, %mul3A_1 : i32
    %eq3A = arith.constant 31 : i32
    %eq3A_3 = arith.cmpi eq, %add3A, %eq3A : i32
    "tpu.region"() ({
      %run_scoped3A = tpu.sem_alloc : memref<!tpu.dma_semaphore, #tpu.memory_space<semaphore_mem>>
      %dma_start3A = arith.constant 0 : i32
      %dma_start3A_44 = tpu.memref_slice %arg6[%dma_start3A] : memref<3136xi32, #tpu.memory_space<vmem>> -> memref<2784xi32, #tpu.memory_space<vmem>>
      %dma_start3A_45 = tpu.memref_slice %arg2[%mul3A_2] : memref<100000xi32, #tpu.memory_space<hbm>> -> memref<2784xi32, #tpu.memory_space<hbm>>
      %dma_start3A_46 = arith.constant 0 : i32
      %dma_start3A_47 = tpu.memref_slice %arg6[%dma_start3A_46] : memref<3136xi32, #tpu.memory_space<vmem>> -> memref<2784xi32, #tpu.memory_space<vmem>>
      %dma_start3A_48 = tpu.memref_slice %arg2[%mul3A_2] : memref<100000xi32, #tpu.memory_space<hbm>> -> memref<2784xi32, #tpu.memory_space<hbm>>
      tpu.enqueue_dma source(%dma_start3A_48 : memref<2784xi32, #tpu.memory_space<hbm>>) target(%dma_start3A_47 : memref<2784xi32, #tpu.memory_space<vmem>>) target_semaphore(%run_scoped3A : memref<!tpu.dma_semaphore, #tpu.memory_space<semaphore_mem>>)
      %dma_wait3A = arith.constant 0 : i32
      %dma_wait3A_49 = tpu.memref_slice %arg6[%dma_wait3A] : memref<3136xi32, #tpu.memory_space<vmem>> -> memref<2784xi32, #tpu.memory_space<vmem>>
      %dma_wait3A_50 = tpu.memref_slice %arg2[%mul3A_2] : memref<100000xi32, #tpu.memory_space<hbm>> -> memref<2784xi32, #tpu.memory_space<hbm>>
      %dma_wait3A_51 = arith.constant 0 : i32
      %dma_wait3A_52 = tpu.memref_slice %arg6[%dma_wait3A_51] : memref<3136xi32, #tpu.memory_space<vmem>> -> memref<2784xi32, #tpu.memory_space<vmem>>
      %dma_wait3A_53 = tpu.memref_slice %arg2[%mul3A_2] : memref<100000xi32, #tpu.memory_space<hbm>> -> memref<2784xi32, #tpu.memory_space<hbm>>
      tpu.wait_dma2 semaphore(%run_scoped3A : memref<!tpu.dma_semaphore, #tpu.memory_space<semaphore_mem>>) src(%dma_wait3A_53 : memref<2784xi32, #tpu.memory_space<hbm>>) dst(%dma_wait3A_52 : memref<2784xi32, #tpu.memory_space<vmem>>)
      tpu.yield
    }) : () -> ()
    "tpu.region"() ({
      %run_scoped3A = tpu.sem_alloc : memref<!tpu.dma_semaphore, #tpu.memory_space<semaphore_mem>>
      %dma_start3A = arith.constant 0 : i32
      %dma_start3A_44 = tpu.memref_slice %arg7[%dma_start3A] : memref<3136xf32, #tpu.memory_space<vmem>> -> memref<2784xf32, #tpu.memory_space<vmem>>
      %dma_start3A_45 = tpu.memref_slice %arg3[%mul3A_2] : memref<100000xf32, #tpu.memory_space<hbm>> -> memref<2784xf32, #tpu.memory_space<hbm>>
      %dma_start3A_46 = arith.constant 0 : i32
      %dma_start3A_47 = tpu.memref_slice %arg7[%dma_start3A_46] : memref<3136xf32, #tpu.memory_space<vmem>> -> memref<2784xf32, #tpu.memory_space<vmem>>
      %dma_start3A_48 = tpu.memref_slice %arg3[%mul3A_2] : memref<100000xf32, #tpu.memory_space<hbm>> -> memref<2784xf32, #tpu.memory_space<hbm>>
      tpu.enqueue_dma source(%dma_start3A_48 : memref<2784xf32, #tpu.memory_space<hbm>>) target(%dma_start3A_47 : memref<2784xf32, #tpu.memory_space<vmem>>) target_semaphore(%run_scoped3A : memref<!tpu.dma_semaphore, #tpu.memory_space<semaphore_mem>>)
      %dma_wait3A = arith.constant 0 : i32
      %dma_wait3A_49 = tpu.memref_slice %arg7[%dma_wait3A] : memref<3136xf32, #tpu.memory_space<vmem>> -> memref<2784xf32, #tpu.memory_space<vmem>>
      %dma_wait3A_50 = tpu.memref_slice %arg3[%mul3A_2] : memref<100000xf32, #tpu.memory_space<hbm>> -> memref<2784xf32, #tpu.memory_space<hbm>>
      %dma_wait3A_51 = arith.constant 0 : i32
      %dma_wait3A_52 = tpu.memref_slice %arg7[%dma_wait3A_51] : memref<3136xf32, #tpu.memory_space<vmem>> -> memref<2784xf32, #tpu.memory_space<vmem>>
      %dma_wait3A_53 = tpu.memref_slice %arg3[%mul3A_2] : memref<100000xf32, #tpu.memory_space<hbm>> -> memref<2784xf32, #tpu.memory_space<hbm>>
      tpu.wait_dma2 semaphore(%run_scoped3A : memref<!tpu.dma_semaphore, #tpu.memory_space<semaphore_mem>>) src(%dma_wait3A_53 : memref<2784xf32, #tpu.memory_space<hbm>>) dst(%dma_wait3A_52 : memref<2784xf32, #tpu.memory_space<vmem>>)
      tpu.yield
    }) : () -> ()
    %not3A = arith.constant true
    %not3A_4 = arith.xori %eq3A_3, %not3A : i1
    %convert_element_type3A = arith.extui %not3A_4 : i1 to i32
    %cond3A = arith.constant 0 : i32
    %cond3A_5 = arith.cmpi ne, %convert_element_type3A, %cond3A : i32
    scf.if %cond3A_5 {
      %add3A_44 = arith.constant 2784 : i32
      %add3A_45 = arith.addi %mul3A_2, %add3A_44 : i32
      "tpu.region"() ({
        %run_scoped3A = tpu.sem_alloc : memref<!tpu.dma_semaphore, #tpu.memory_space<semaphore_mem>>
        %dma_start3A = arith.constant 2784 : i32
        %dma_start3A_48 = tpu.memref_slice %arg6[%dma_start3A] : memref<3136xi32, #tpu.memory_space<vmem>> -> memref<352xi32, #tpu.memory_space<vmem>>
        %dma_start3A_49 = tpu.memref_slice %arg2[%add3A_45] : memref<100000xi32, #tpu.memory_space<hbm>> -> memref<352xi32, #tpu.memory_space<hbm>>
        %dma_start3A_50 = arith.constant 2784 : i32
        %dma_start3A_51 = tpu.memref_slice %arg6[%dma_start3A_50] : memref<3136xi32, #tpu.memory_space<vmem>> -> memref<352xi32, #tpu.memory_space<vmem>>
        %dma_start3A_52 = tpu.memref_slice %arg2[%add3A_45] : memref<100000xi32, #tpu.memory_space<hbm>> -> memref<352xi32, #tpu.memory_space<hbm>>
        tpu.enqueue_dma source(%dma_start3A_52 : memref<352xi32, #tpu.memory_space<hbm>>) target(%dma_start3A_51 : memref<352xi32, #tpu.memory_space<vmem>>) target_semaphore(%run_scoped3A : memref<!tpu.dma_semaphore, #tpu.memory_space<semaphore_mem>>)
        %dma_wait3A = arith.constant 2784 : i32
        %dma_wait3A_53 = tpu.memref_slice %arg6[%dma_wait3A] : memref<3136xi32, #tpu.memory_space<vmem>> -> memref<352xi32, #tpu.memory_space<vmem>>
        %dma_wait3A_54 = tpu.memref_slice %arg2[%add3A_45] : memref<100000xi32, #tpu.memory_space<hbm>> -> memref<352xi32, #tpu.memory_space<hbm>>
        %dma_wait3A_55 = arith.constant 2784 : i32
        %dma_wait3A_56 = tpu.memref_slice %arg6[%dma_wait3A_55] : memref<3136xi32, #tpu.memory_space<vmem>> -> memref<352xi32, #tpu.memory_space<vmem>>
        %dma_wait3A_57 = tpu.memref_slice %arg2[%add3A_45] : memref<100000xi32, #tpu.memory_space<hbm>> -> memref<352xi32, #tpu.memory_space<hbm>>
        tpu.wait_dma2 semaphore(%run_scoped3A : memref<!tpu.dma_semaphore, #tpu.memory_space<semaphore_mem>>) src(%dma_wait3A_57 : memref<352xi32, #tpu.memory_space<hbm>>) dst(%dma_wait3A_56 : memref<352xi32, #tpu.memory_space<vmem>>)
        tpu.yield
      }) : () -> ()
      %add3A_46 = arith.constant 2784 : i32
      %add3A_47 = arith.addi %mul3A_2, %add3A_46 : i32
      "tpu.region"() ({
        %run_scoped3A = tpu.sem_alloc : memref<!tpu.dma_semaphore, #tpu.memory_space<semaphore_mem>>
        %dma_start3A = arith.constant 2784 : i32
        %dma_start3A_48 = tpu.memref_slice %arg7[%dma_start3A] : memref<3136xf32, #tpu.memory_space<vmem>> -> memref<352xf32, #tpu.memory_space<vmem>>
        %dma_start3A_49 = tpu.memref_slice %arg3[%add3A_47] : memref<100000xf32, #tpu.memory_space<hbm>> -> memref<352xf32, #tpu.memory_space<hbm>>
        %dma_start3A_50 = arith.constant 2784 : i32
        %dma_start3A_51 = tpu.memref_slice %arg7[%dma_start3A_50] : memref<3136xf32, #tpu.memory_space<vmem>> -> memref<352xf32, #tpu.memory_space<vmem>>
        %dma_start3A_52 = tpu.memref_slice %arg3[%add3A_47] : memref<100000xf32, #tpu.memory_space<hbm>> -> memref<352xf32, #tpu.memory_space<hbm>>
        tpu.enqueue_dma source(%dma_start3A_52 : memref<352xf32, #tpu.memory_space<hbm>>) target(%dma_start3A_51 : memref<352xf32, #tpu.memory_space<vmem>>) target_semaphore(%run_scoped3A : memref<!tpu.dma_semaphore, #tpu.memory_space<semaphore_mem>>)
        %dma_wait3A = arith.constant 2784 : i32
        %dma_wait3A_53 = tpu.memref_slice %arg7[%dma_wait3A] : memref<3136xf32, #tpu.memory_space<vmem>> -> memref<352xf32, #tpu.memory_space<vmem>>
        %dma_wait3A_54 = tpu.memref_slice %arg3[%add3A_47] : memref<100000xf32, #tpu.memory_space<hbm>> -> memref<352xf32, #tpu.memory_space<hbm>>
        %dma_wait3A_55 = arith.constant 2784 : i32
        %dma_wait3A_56 = tpu.memref_slice %arg7[%dma_wait3A_55] : memref<3136xf32, #tpu.memory_space<vmem>> -> memref<352xf32, #tpu.memory_space<vmem>>
        %dma_wait3A_57 = tpu.memref_slice %arg3[%add3A_47] : memref<100000xf32, #tpu.memory_space<hbm>> -> memref<352xf32, #tpu.memory_space<hbm>>
        tpu.wait_dma2 semaphore(%run_scoped3A : memref<!tpu.dma_semaphore, #tpu.memory_space<semaphore_mem>>) src(%dma_wait3A_57 : memref<352xf32, #tpu.memory_space<hbm>>) dst(%dma_wait3A_56 : memref<352xf32, #tpu.memory_space<vmem>>)
        tpu.yield
      }) : () -> ()
    } else {
    }
    %broadcast_in_dim3A = arith.constant 0.000000e+00 : f32
    %broadcast_in_dim3A_6 = vector.broadcast %broadcast_in_dim3A : f32 to vector<16xf32>
    %broadcast_in_dim3A_7 = arith.constant 4096 : i32
    %broadcast_in_dim3A_8 = vector.broadcast %broadcast_in_dim3A_7 : i32 to vector<16xi32>
    %convert_element_type3A_9 = arith.extui %eq3A_3 : i1 to i32
    %cond3A_10 = arith.constant 0 : i32
    %cond3A_11 = arith.cmpi ne, %convert_element_type3A_9, %cond3A_10 : i32
    scf.if %cond3A_11 {
      %scan3A_44 = arith.constant 0 : i32
      %scan3A_45 = arith.constant 0 : i32
      %mul3A_46 = arith.constant 16 : i32
      %mul3A_47 = arith.muli %scan3A_45, %mul3A_46 : i32
      %add3A_48 = arith.constant 2784 : i32
      %add3A_49 = arith.addi %add3A_48, %mul3A_47 : i32
      %swap3A = arith.index_cast %add3A_49 : i32 to index
      %swap3A_50 = tpu.vector_load %arg6[%swap3A] {strides = array<i32>} : memref<3136xi32, #tpu.memory_space<vmem>>, vector<16xi32>,
      tpu.vector_store %arg6[%swap3A], %broadcast_in_dim3A_8 {strides = array<i32>} : memref<3136xi32, #tpu.memory_space<vmem>>, vector<16xi32>,
      %swap3A_51 = arith.index_cast %add3A_49 : i32 to index
      %swap3A_52 = tpu.vector_load %arg7[%swap3A_51] {strides = array<i32>} : memref<3136xf32, #tpu.memory_space<vmem>>, vector<16xf32>,
      tpu.vector_store %arg7[%swap3A_51], %broadcast_in_dim3A_6 {strides = array<i32>} : memref<3136xf32, #tpu.memory_space<vmem>>, vector<16xf32>,
      %scan3A_53 = arith.constant 0 : i32
      %scan3A_54 = arith.constant 1 : i32
      %mul3A_55 = arith.constant 16 : i32
      %mul3A_56 = arith.muli %scan3A_54, %mul3A_55 : i32
      %add3A_57 = arith.constant 2784 : i32
      %add3A_58 = arith.addi %add3A_57, %mul3A_56 : i32
      %swap3A_59 = arith.index_cast %add3A_58 : i32 to index
      %swap3A_60 = tpu.vector_load %arg6[%swap3A_59] {strides = array<i32>} : memref<3136xi32, #tpu.memory_space<vmem>>, vector<16xi32>,
      tpu.vector_store %arg6[%swap3A_59], %broadcast_in_dim3A_8 {strides = array<i32>} : memref<3136xi32, #tpu.memory_space<vmem>>, vector<16xi32>,
      %swap3A_61 = arith.index_cast %add3A_58 : i32 to index
      %swap3A_62 = tpu.vector_load %arg7[%swap3A_61] {strides = array<i32>} : memref<3136xf32, #tpu.memory_space<vmem>>, vector<16xf32>,
      tpu.vector_store %arg7[%swap3A_61], %broadcast_in_dim3A_6 {strides = array<i32>} : memref<3136xf32, #tpu.memory_space<vmem>>, vector<16xf32>,
      %scan3A_63 = arith.constant 0 : i32
      %scan3A_64 = arith.constant 2 : i32
      %mul3A_65 = arith.constant 16 : i32
      %mul3A_66 = arith.muli %scan3A_64, %mul3A_65 : i32
      %add3A_67 = arith.constant 2784 : i32
      %add3A_68 = arith.addi %add3A_67, %mul3A_66 : i32
      %swap3A_69 = arith.index_cast %add3A_68 : i32 to index
      %swap3A_70 = tpu.vector_load %arg6[%swap3A_69] {strides = array<i32>} : memref<3136xi32, #tpu.memory_space<vmem>>, vector<16xi32>,
      tpu.vector_store %arg6[%swap3A_69], %broadcast_in_dim3A_8 {strides = array<i32>} : memref<3136xi32, #tpu.memory_space<vmem>>, vector<16xi32>,
      %swap3A_71 = arith.index_cast %add3A_68 : i32 to index
      %swap3A_72 = tpu.vector_load %arg7[%swap3A_71] {strides = array<i32>} : memref<3136xf32, #tpu.memory_space<vmem>>, vector<16xf32>,
      tpu.vector_store %arg7[%swap3A_71], %broadcast_in_dim3A_6 {strides = array<i32>} : memref<3136xf32, #tpu.memory_space<vmem>>, vector<16xf32>,
      %scan3A_73 = arith.constant 0 : i32
      %scan3A_74 = arith.constant 3 : i32
      %mul3A_75 = arith.constant 16 : i32
      %mul3A_76 = arith.muli %scan3A_74, %mul3A_75 : i32
      %add3A_77 = arith.constant 2784 : i32
      %add3A_78 = arith.addi %add3A_77, %mul3A_76 : i32
      %swap3A_79 = arith.index_cast %add3A_78 : i32 to index
      %swap3A_80 = tpu.vector_load %arg6[%swap3A_79] {strides = array<i32>} : memref<3136xi32, #tpu.memory_space<vmem>>, vector<16xi32>,
      tpu.vector_store %arg6[%swap3A_79], %broadcast_in_dim3A_8 {strides = array<i32>} : memref<3136xi32, #tpu.memory_space<vmem>>, vector<16xi32>,
      %swap3A_81 = arith.index_cast %add3A_78 : i32 to index
      %swap3A_82 = tpu.vector_load %arg7[%swap3A_81] {strides = array<i32>} : memref<3136xf32, #tpu.memory_space<vmem>>, vector<16xf32>,
      tpu.vector_store %arg7[%swap3A_81], %broadcast_in_dim3A_6 {strides = array<i32>} : memref<3136xf32, #tpu.memory_space<vmem>>, vector<16xf32>,
      %scan3A_83 = arith.constant 0 : i32
      %scan3A_84 = arith.constant 4 : i32
      %mul3A_85 = arith.constant 16 : i32
      %mul3A_86 = arith.muli %scan3A_84, %mul3A_85 : i32
      %add3A_87 = arith.constant 2784 : i32
      %add3A_88 = arith.addi %add3A_87, %mul3A_86 : i32
      %swap3A_89 = arith.index_cast %add3A_88 : i32 to index
      %swap3A_90 = tpu.vector_load %arg6[%swap3A_89] {strides = array<i32>} : memref<3136xi32, #tpu.memory_space<vmem>>, vector<16xi32>,
      tpu.vector_store %arg6[%swap3A_89], %broadcast_in_dim3A_8 {strides = array<i32>} : memref<3136xi32, #tpu.memory_space<vmem>>, vector<16xi32>,
      %swap3A_91 = arith.index_cast %add3A_88 : i32 to index
      %swap3A_92 = tpu.vector_load %arg7[%swap3A_91] {strides = array<i32>} : memref<3136xf32, #tpu.memory_space<vmem>>, vector<16xf32>,
      tpu.vector_store %arg7[%swap3A_91], %broadcast_in_dim3A_6 {strides = array<i32>} : memref<3136xf32, #tpu.memory_space<vmem>>, vector<16xf32>,
      %scan3A_93 = arith.constant 0 : i32
      %scan3A_94 = arith.constant 5 : i32
      %mul3A_95 = arith.constant 16 : i32
      %mul3A_96 = arith.muli %scan3A_94, %mul3A_95 : i32
      %add3A_97 = arith.constant 2784 : i32
      %add3A_98 = arith.addi %add3A_97, %mul3A_96 : i32
      %swap3A_99 = arith.index_cast %add3A_98 : i32 to index
      %swap3A_100 = tpu.vector_load %arg6[%swap3A_99] {strides = array<i32>} : memref<3136xi32, #tpu.memory_space<vmem>>, vector<16xi32>,
      tpu.vector_store %arg6[%swap3A_99], %broadcast_in_dim3A_8 {strides = array<i32>} : memref<3136xi32, #tpu.memory_space<vmem>>, vector<16xi32>,
      %swap3A_101 = arith.index_cast %add3A_98 : i32 to index
      %swap3A_102 = tpu.vector_load %arg7[%swap3A_101] {strides = array<i32>} : memref<3136xf32, #tpu.memory_space<vmem>>, vector<16xf32>,
      tpu.vector_store %arg7[%swap3A_101], %broadcast_in_dim3A_6 {strides = array<i32>} : memref<3136xf32, #tpu.memory_space<vmem>>, vector<16xf32>,
      %scan3A_103 = arith.constant 0 : i32
      %scan3A_104 = arith.constant 6 : i32
      %mul3A_105 = arith.constant 16 : i32
      %mul3A_106 = arith.muli %scan3A_104, %mul3A_105 : i32
      %add3A_107 = arith.constant 2784 : i32
      %add3A_108 = arith.addi %add3A_107, %mul3A_106 : i32
      %swap3A_109 = arith.index_cast %add3A_108 : i32 to index
      %swap3A_110 = tpu.vector_load %arg6[%swap3A_109] {strides = array<i32>} : memref<3136xi32, #tpu.memory_space<vmem>>, vector<16xi32>,
      tpu.vector_store %arg6[%swap3A_109], %broadcast_in_dim3A_8 {strides = array<i32>} : memref<3136xi32, #tpu.memory_space<vmem>>, vector<16xi32>,
      %swap3A_111 = arith.index_cast %add3A_108 : i32 to index
      %swap3A_112 = tpu.vector_load %arg7[%swap3A_111] {strides = array<i32>} : memref<3136xf32, #tpu.memory_space<vmem>>, vector<16xf32>,
      tpu.vector_store %arg7[%swap3A_111], %broadcast_in_dim3A_6 {strides = array<i32>} : memref<3136xf32, #tpu.memory_space<vmem>>, vector<16xf32>,
      %scan3A_113 = arith.constant 0 : i32
      %scan3A_114 = arith.constant 7 : i32
      %mul3A_115 = arith.constant 16 : i32
      %mul3A_116 = arith.muli %scan3A_114, %mul3A_115 : i32
      %add3A_117 = arith.constant 2784 : i32
      %add3A_118 = arith.addi %add3A_117, %mul3A_116 : i32
      %swap3A_119 = arith.index_cast %add3A_118 : i32 to index
      %swap3A_120 = tpu.vector_load %arg6[%swap3A_119] {strides = array<i32>} : memref<3136xi32, #tpu.memory_space<vmem>>, vector<16xi32>,
      tpu.vector_store %arg6[%swap3A_119], %broadcast_in_dim3A_8 {strides = array<i32>} : memref<3136xi32, #tpu.memory_space<vmem>>, vector<16xi32>,
      %swap3A_121 = arith.index_cast %add3A_118 : i32 to index
      %swap3A_122 = tpu.vector_load %arg7[%swap3A_121] {strides = array<i32>} : memref<3136xf32, #tpu.memory_space<vmem>>, vector<16xf32>,
      tpu.vector_store %arg7[%swap3A_121], %broadcast_in_dim3A_6 {strides = array<i32>} : memref<3136xf32, #tpu.memory_space<vmem>>, vector<16xf32>,
      %scan3A_123 = arith.constant 0 : i32
      %scan3A_124 = arith.constant 8 : i32
      %mul3A_125 = arith.constant 16 : i32
      %mul3A_126 = arith.muli %scan3A_124, %mul3A_125 : i32
      %add3A_127 = arith.constant 2784 : i32
      %add3A_128 = arith.addi %add3A_127, %mul3A_126 : i32
      %swap3A_129 = arith.index_cast %add3A_128 : i32 to index
      %swap3A_130 = tpu.vector_load %arg6[%swap3A_129] {strides = array<i32>} : memref<3136xi32, #tpu.memory_space<vmem>>, vector<16xi32>,
      tpu.vector_store %arg6[%swap3A_129], %broadcast_in_dim3A_8 {strides = array<i32>} : memref<3136xi32, #tpu.memory_space<vmem>>, vector<16xi32>,
      %swap3A_131 = arith.index_cast %add3A_128 : i32 to index
      %swap3A_132 = tpu.vector_load %arg7[%swap3A_131] {strides = array<i32>} : memref<3136xf32, #tpu.memory_space<vmem>>, vector<16xf32>,
      tpu.vector_store %arg7[%swap3A_131], %broadcast_in_dim3A_6 {strides = array<i32>} : memref<3136xf32, #tpu.memory_space<vmem>>, vector<16xf32>,
      %scan3A_133 = arith.constant 0 : i32
      %scan3A_134 = arith.constant 9 : i32
      %mul3A_135 = arith.constant 16 : i32
      %mul3A_136 = arith.muli %scan3A_134, %mul3A_135 : i32
      %add3A_137 = arith.constant 2784 : i32
      %add3A_138 = arith.addi %add3A_137, %mul3A_136 : i32
      %swap3A_139 = arith.index_cast %add3A_138 : i32 to index
      %swap3A_140 = tpu.vector_load %arg6[%swap3A_139] {strides = array<i32>} : memref<3136xi32, #tpu.memory_space<vmem>>, vector<16xi32>,
      tpu.vector_store %arg6[%swap3A_139], %broadcast_in_dim3A_8 {strides = array<i32>} : memref<3136xi32, #tpu.memory_space<vmem>>, vector<16xi32>,
      %swap3A_141 = arith.index_cast %add3A_138 : i32 to index
      %swap3A_142 = tpu.vector_load %arg7[%swap3A_141] {strides = array<i32>} : memref<3136xf32, #tpu.memory_space<vmem>>, vector<16xf32>,
      tpu.vector_store %arg7[%swap3A_141], %broadcast_in_dim3A_6 {strides = array<i32>} : memref<3136xf32, #tpu.memory_space<vmem>>, vector<16xf32>,
      %scan3A_143 = arith.constant 0 : i32
      %scan3A_144 = arith.constant 10 : i32
      %mul3A_145 = arith.constant 16 : i32
      %mul3A_146 = arith.muli %scan3A_144, %mul3A_145 : i32
      %add3A_147 = arith.constant 2784 : i32
      %add3A_148 = arith.addi %add3A_147, %mul3A_146 : i32
      %swap3A_149 = arith.index_cast %add3A_148 : i32 to index
      %swap3A_150 = tpu.vector_load %arg6[%swap3A_149] {strides = array<i32>} : memref<3136xi32, #tpu.memory_space<vmem>>, vector<16xi32>,
      tpu.vector_store %arg6[%swap3A_149], %broadcast_in_dim3A_8 {strides = array<i32>} : memref<3136xi32, #tpu.memory_space<vmem>>, vector<16xi32>,
      %swap3A_151 = arith.index_cast %add3A_148 : i32 to index
      %swap3A_152 = tpu.vector_load %arg7[%swap3A_151] {strides = array<i32>} : memref<3136xf32, #tpu.memory_space<vmem>>, vector<16xf32>,
      tpu.vector_store %arg7[%swap3A_151], %broadcast_in_dim3A_6 {strides = array<i32>} : memref<3136xf32, #tpu.memory_space<vmem>>, vector<16xf32>,
      %scan3A_153 = arith.constant 0 : i32
      %scan3A_154 = arith.constant 11 : i32
      %mul3A_155 = arith.constant 16 : i32
      %mul3A_156 = arith.muli %scan3A_154, %mul3A_155 : i32
      %add3A_157 = arith.constant 2784 : i32
      %add3A_158 = arith.addi %add3A_157, %mul3A_156 : i32
      %swap3A_159 = arith.index_cast %add3A_158 : i32 to index
      %swap3A_160 = tpu.vector_load %arg6[%swap3A_159] {strides = array<i32>} : memref<3136xi32, #tpu.memory_space<vmem>>, vector<16xi32>,
      tpu.vector_store %arg6[%swap3A_159], %broadcast_in_dim3A_8 {strides = array<i32>} : memref<3136xi32, #tpu.memory_space<vmem>>, vector<16xi32>,
      %swap3A_161 = arith.index_cast %add3A_158 : i32 to index
      %swap3A_162 = tpu.vector_load %arg7[%swap3A_161] {strides = array<i32>} : memref<3136xf32, #tpu.memory_space<vmem>>, vector<16xf32>,
      tpu.vector_store %arg7[%swap3A_161], %broadcast_in_dim3A_6 {strides = array<i32>} : memref<3136xf32, #tpu.memory_space<vmem>>, vector<16xf32>,
      %scan3A_163 = arith.constant 0 : i32
      %scan3A_164 = arith.constant 12 : i32
      %mul3A_165 = arith.constant 16 : i32
      %mul3A_166 = arith.muli %scan3A_164, %mul3A_165 : i32
      %add3A_167 = arith.constant 2784 : i32
      %add3A_168 = arith.addi %add3A_167, %mul3A_166 : i32
      %swap3A_169 = arith.index_cast %add3A_168 : i32 to index
      %swap3A_170 = tpu.vector_load %arg6[%swap3A_169] {strides = array<i32>} : memref<3136xi32, #tpu.memory_space<vmem>>, vector<16xi32>,
      tpu.vector_store %arg6[%swap3A_169], %broadcast_in_dim3A_8 {strides = array<i32>} : memref<3136xi32, #tpu.memory_space<vmem>>, vector<16xi32>,
      %swap3A_171 = arith.index_cast %add3A_168 : i32 to index
      %swap3A_172 = tpu.vector_load %arg7[%swap3A_171] {strides = array<i32>} : memref<3136xf32, #tpu.memory_space<vmem>>, vector<16xf32>,
      tpu.vector_store %arg7[%swap3A_171], %broadcast_in_dim3A_6 {strides = array<i32>} : memref<3136xf32, #tpu.memory_space<vmem>>, vector<16xf32>,
      %scan3A_173 = arith.constant 0 : i32
      %scan3A_174 = arith.constant 13 : i32
      %mul3A_175 = arith.constant 16 : i32
      %mul3A_176 = arith.muli %scan3A_174, %mul3A_175 : i32
      %add3A_177 = arith.constant 2784 : i32
      %add3A_178 = arith.addi %add3A_177, %mul3A_176 : i32
      %swap3A_179 = arith.index_cast %add3A_178 : i32 to index
      %swap3A_180 = tpu.vector_load %arg6[%swap3A_179] {strides = array<i32>} : memref<3136xi32, #tpu.memory_space<vmem>>, vector<16xi32>,
      tpu.vector_store %arg6[%swap3A_179], %broadcast_in_dim3A_8 {strides = array<i32>} : memref<3136xi32, #tpu.memory_space<vmem>>, vector<16xi32>,
      %swap3A_181 = arith.index_cast %add3A_178 : i32 to index
      %swap3A_182 = tpu.vector_load %arg7[%swap3A_181] {strides = array<i32>} : memref<3136xf32, #tpu.memory_space<vmem>>, vector<16xf32>,
      tpu.vector_store %arg7[%swap3A_181], %broadcast_in_dim3A_6 {strides = array<i32>} : memref<3136xf32, #tpu.memory_space<vmem>>, vector<16xf32>,
      %scan3A_183 = arith.constant 0 : i32
      %scan3A_184 = arith.constant 14 : i32
      %mul3A_185 = arith.constant 16 : i32
      %mul3A_186 = arith.muli %scan3A_184, %mul3A_185 : i32
      %add3A_187 = arith.constant 2784 : i32
      %add3A_188 = arith.addi %add3A_187, %mul3A_186 : i32
      %swap3A_189 = arith.index_cast %add3A_188 : i32 to index
      %swap3A_190 = tpu.vector_load %arg6[%swap3A_189] {strides = array<i32>} : memref<3136xi32, #tpu.memory_space<vmem>>, vector<16xi32>,
      tpu.vector_store %arg6[%swap3A_189], %broadcast_in_dim3A_8 {strides = array<i32>} : memref<3136xi32, #tpu.memory_space<vmem>>, vector<16xi32>,
      %swap3A_191 = arith.index_cast %add3A_188 : i32 to index
      %swap3A_192 = tpu.vector_load %arg7[%swap3A_191] {strides = array<i32>} : memref<3136xf32, #tpu.memory_space<vmem>>, vector<16xf32>,
      tpu.vector_store %arg7[%swap3A_191], %broadcast_in_dim3A_6 {strides = array<i32>} : memref<3136xf32, #tpu.memory_space<vmem>>, vector<16xf32>,
      %scan3A_193 = arith.constant 0 : i32
      %scan3A_194 = arith.constant 15 : i32
      %mul3A_195 = arith.constant 16 : i32
      %mul3A_196 = arith.muli %scan3A_194, %mul3A_195 : i32
      %add3A_197 = arith.constant 2784 : i32
      %add3A_198 = arith.addi %add3A_197, %mul3A_196 : i32
      %swap3A_199 = arith.index_cast %add3A_198 : i32 to index
      %swap3A_200 = tpu.vector_load %arg6[%swap3A_199] {strides = array<i32>} : memref<3136xi32, #tpu.memory_space<vmem>>, vector<16xi32>,
      tpu.vector_store %arg6[%swap3A_199], %broadcast_in_dim3A_8 {strides = array<i32>} : memref<3136xi32, #tpu.memory_space<vmem>>, vector<16xi32>,
      %swap3A_201 = arith.index_cast %add3A_198 : i32 to index
      %swap3A_202 = tpu.vector_load %arg7[%swap3A_201] {strides = array<i32>} : memref<3136xf32, #tpu.memory_space<vmem>>, vector<16xf32>,
      tpu.vector_store %arg7[%swap3A_201], %broadcast_in_dim3A_6 {strides = array<i32>} : memref<3136xf32, #tpu.memory_space<vmem>>, vector<16xf32>,
      %scan3A_203 = arith.constant 0 : i32
      %scan3A_204 = arith.constant 16 : i32
      %mul3A_205 = arith.constant 16 : i32
      %mul3A_206 = arith.muli %scan3A_204, %mul3A_205 : i32
      %add3A_207 = arith.constant 2784 : i32
      %add3A_208 = arith.addi %add3A_207, %mul3A_206 : i32
      %swap3A_209 = arith.index_cast %add3A_208 : i32 to index
      %swap3A_210 = tpu.vector_load %arg6[%swap3A_209] {strides = array<i32>} : memref<3136xi32, #tpu.memory_space<vmem>>, vector<16xi32>,
      tpu.vector_store %arg6[%swap3A_209], %broadcast_in_dim3A_8 {strides = array<i32>} : memref<3136xi32, #tpu.memory_space<vmem>>, vector<16xi32>,
      %swap3A_211 = arith.index_cast %add3A_208 : i32 to index
      %swap3A_212 = tpu.vector_load %arg7[%swap3A_211] {strides = array<i32>} : memref<3136xf32, #tpu.memory_space<vmem>>, vector<16xf32>,
      tpu.vector_store %arg7[%swap3A_211], %broadcast_in_dim3A_6 {strides = array<i32>} : memref<3136xf32, #tpu.memory_space<vmem>>, vector<16xf32>,
      %scan3A_213 = arith.constant 0 : i32
      %scan3A_214 = arith.constant 17 : i32
      %mul3A_215 = arith.constant 16 : i32
      %mul3A_216 = arith.muli %scan3A_214, %mul3A_215 : i32
      %add3A_217 = arith.constant 2784 : i32
      %add3A_218 = arith.addi %add3A_217, %mul3A_216 : i32
      %swap3A_219 = arith.index_cast %add3A_218 : i32 to index
      %swap3A_220 = tpu.vector_load %arg6[%swap3A_219] {strides = array<i32>} : memref<3136xi32, #tpu.memory_space<vmem>>, vector<16xi32>,
      tpu.vector_store %arg6[%swap3A_219], %broadcast_in_dim3A_8 {strides = array<i32>} : memref<3136xi32, #tpu.memory_space<vmem>>, vector<16xi32>,
      %swap3A_221 = arith.index_cast %add3A_218 : i32 to index
      %swap3A_222 = tpu.vector_load %arg7[%swap3A_221] {strides = array<i32>} : memref<3136xf32, #tpu.memory_space<vmem>>, vector<16xf32>,
      tpu.vector_store %arg7[%swap3A_221], %broadcast_in_dim3A_6 {strides = array<i32>} : memref<3136xf32, #tpu.memory_space<vmem>>, vector<16xf32>,
      %scan3A_223 = arith.constant 0 : i32
      %scan3A_224 = arith.constant 18 : i32
      %mul3A_225 = arith.constant 16 : i32
      %mul3A_226 = arith.muli %scan3A_224, %mul3A_225 : i32
      %add3A_227 = arith.constant 2784 : i32
      %add3A_228 = arith.addi %add3A_227, %mul3A_226 : i32
      %swap3A_229 = arith.index_cast %add3A_228 : i32 to index
      %swap3A_230 = tpu.vector_load %arg6[%swap3A_229] {strides = array<i32>} : memref<3136xi32, #tpu.memory_space<vmem>>, vector<16xi32>,
      tpu.vector_store %arg6[%swap3A_229], %broadcast_in_dim3A_8 {strides = array<i32>} : memref<3136xi32, #tpu.memory_space<vmem>>, vector<16xi32>,
      %swap3A_231 = arith.index_cast %add3A_228 : i32 to index
      %swap3A_232 = tpu.vector_load %arg7[%swap3A_231] {strides = array<i32>} : memref<3136xf32, #tpu.memory_space<vmem>>, vector<16xf32>,
      tpu.vector_store %arg7[%swap3A_231], %broadcast_in_dim3A_6 {strides = array<i32>} : memref<3136xf32, #tpu.memory_space<vmem>>, vector<16xf32>,
      %scan3A_233 = arith.constant 0 : i32
      %scan3A_234 = arith.constant 19 : i32
      %mul3A_235 = arith.constant 16 : i32
      %mul3A_236 = arith.muli %scan3A_234, %mul3A_235 : i32
      %add3A_237 = arith.constant 2784 : i32
      %add3A_238 = arith.addi %add3A_237, %mul3A_236 : i32
      %swap3A_239 = arith.index_cast %add3A_238 : i32 to index
      %swap3A_240 = tpu.vector_load %arg6[%swap3A_239] {strides = array<i32>} : memref<3136xi32, #tpu.memory_space<vmem>>, vector<16xi32>,
      tpu.vector_store %arg6[%swap3A_239], %broadcast_in_dim3A_8 {strides = array<i32>} : memref<3136xi32, #tpu.memory_space<vmem>>, vector<16xi32>,
      %swap3A_241 = arith.index_cast %add3A_238 : i32 to index
      %swap3A_242 = tpu.vector_load %arg7[%swap3A_241] {strides = array<i32>} : memref<3136xf32, #tpu.memory_space<vmem>>, vector<16xf32>,
      tpu.vector_store %arg7[%swap3A_241], %broadcast_in_dim3A_6 {strides = array<i32>} : memref<3136xf32, #tpu.memory_space<vmem>>, vector<16xf32>,
      %scan3A_243 = arith.constant 0 : i32
      %scan3A_244 = arith.constant 20 : i32
      %mul3A_245 = arith.constant 16 : i32
      %mul3A_246 = arith.muli %scan3A_244, %mul3A_245 : i32
      %add3A_247 = arith.constant 2784 : i32
      %add3A_248 = arith.addi %add3A_247, %mul3A_246 : i32
      %swap3A_249 = arith.index_cast %add3A_248 : i32 to index
      %swap3A_250 = tpu.vector_load %arg6[%swap3A_249] {strides = array<i32>} : memref<3136xi32, #tpu.memory_space<vmem>>, vector<16xi32>,
      tpu.vector_store %arg6[%swap3A_249], %broadcast_in_dim3A_8 {strides = array<i32>} : memref<3136xi32, #tpu.memory_space<vmem>>, vector<16xi32>,
      %swap3A_251 = arith.index_cast %add3A_248 : i32 to index
      %swap3A_252 = tpu.vector_load %arg7[%swap3A_251] {strides = array<i32>} : memref<3136xf32, #tpu.memory_space<vmem>>, vector<16xf32>,
      tpu.vector_store %arg7[%swap3A_251], %broadcast_in_dim3A_6 {strides = array<i32>} : memref<3136xf32, #tpu.memory_space<vmem>>, vector<16xf32>,
      %scan3A_253 = arith.constant 0 : i32
      %scan3A_254 = arith.constant 21 : i32
      %mul3A_255 = arith.constant 16 : i32
      %mul3A_256 = arith.muli %scan3A_254, %mul3A_255 : i32
      %add3A_257 = arith.constant 2784 : i32
      %add3A_258 = arith.addi %add3A_257, %mul3A_256 : i32
      %swap3A_259 = arith.index_cast %add3A_258 : i32 to index
      %swap3A_260 = tpu.vector_load %arg6[%swap3A_259] {strides = array<i32>} : memref<3136xi32, #tpu.memory_space<vmem>>, vector<16xi32>,
      tpu.vector_store %arg6[%swap3A_259], %broadcast_in_dim3A_8 {strides = array<i32>} : memref<3136xi32, #tpu.memory_space<vmem>>, vector<16xi32>,
      %swap3A_261 = arith.index_cast %add3A_258 : i32 to index
      %swap3A_262 = tpu.vector_load %arg7[%swap3A_261] {strides = array<i32>} : memref<3136xf32, #tpu.memory_space<vmem>>, vector<16xf32>,
      tpu.vector_store %arg7[%swap3A_261], %broadcast_in_dim3A_6 {strides = array<i32>} : memref<3136xf32, #tpu.memory_space<vmem>>, vector<16xf32>,
      %scan3A_263 = arith.constant 0 : i32
      %scan3A_264 = arith.constant 22 : i32
    } else {
    }
    %scan3A = arith.constant 0 : i32
    %scan3A_12 = arith.constant 0 : i32
    %scan3A_13 = arith.constant 257 : i32
    %scan3A_14 = arith.addi %scan3A_12, %scan3A_13 : i32
    %scan3A_15 = arith.constant 1 : i32
    %scan3A_16 = scf.for %scan3A_44 = %scan3A_12 to %scan3A_14 step %scan3A_15 iter_args(%scan3A_45 = %scan3A) -> (i32)  : i32 {
      %mul3A_46 = arith.constant 16 : i32
      %mul3A_47 = arith.muli %scan3A_44, %mul3A_46 : i32
      %swap3A = arith.index_cast %mul3A_47 : i32 to index
      %swap3A_48 = tpu.vector_load %arg8[%swap3A] {strides = array<i32>} : memref<4112xf32, #tpu.memory_space<vmem>>, vector<16xf32>,
      tpu.vector_store %arg8[%swap3A], %broadcast_in_dim3A_6 {strides = array<i32>} : memref<4112xf32, #tpu.memory_space<vmem>>, vector<16xf32>,
      %swap3A_49 = arith.index_cast %mul3A_47 : i32 to index
      %swap3A_50 = tpu.vector_load %arg9[%swap3A_49] {strides = array<i32>} : memref<4112xf32, #tpu.memory_space<vmem>>, vector<16xf32>,
      tpu.vector_store %arg9[%swap3A_49], %broadcast_in_dim3A_6 {strides = array<i32>} : memref<4112xf32, #tpu.memory_space<vmem>>, vector<16xf32>,
      %swap3A_51 = arith.index_cast %mul3A_47 : i32 to index
      %swap3A_52 = tpu.vector_load %arg10[%swap3A_51] {strides = array<i32>} : memref<4112xf32, #tpu.memory_space<vmem>>, vector<16xf32>,
      tpu.vector_store %arg10[%swap3A_51], %broadcast_in_dim3A_6 {strides = array<i32>} : memref<4112xf32, #tpu.memory_space<vmem>>, vector<16xf32>,
      %swap3A_53 = arith.index_cast %mul3A_47 : i32 to index
      %swap3A_54 = tpu.vector_load %arg11[%swap3A_53] {strides = array<i32>} : memref<4112xf32, #tpu.memory_space<vmem>>, vector<16xf32>,
      tpu.vector_store %arg11[%swap3A_53], %broadcast_in_dim3A_6 {strides = array<i32>} : memref<4112xf32, #tpu.memory_space<vmem>>, vector<16xf32>,
      %scan3A_55 = arith.constant 0 : i32
      scf.yield %scan3A_55 : i32
    }
    %scan3A_17 = arith.constant 257 : i32
    %iota3A = tpu.iota {dimensions = array<i32: 0>} : vector<16xi32>
    %add3A_18 = arith.constant 1 : i32
    %add3A_19 = vector.broadcast %add3A_18 : i32 to vector<16xi32>
    %add3A_20 = arith.addi %iota3A, %add3A_19 : vector<16xi32>
    %min3A = arith.constant 15 : i32
    %min3A_21 = vector.broadcast %min3A : i32 to vector<16xi32>
    %min3A_22 = arith.minsi %add3A_20, %min3A_21 : vector<16xi32>
    %sub3A = arith.constant 1 : i32
    %sub3A_23 = vector.broadcast %sub3A : i32 to vector<16xi32>
    %sub3A_24 = arith.subi %iota3A, %sub3A_23 : vector<16xi32>
    %max3A = arith.constant 0 : i32
    %max3A_25 = vector.broadcast %max3A : i32 to vector<16xi32>
    %max3A_26 = arith.maxsi %sub3A_24, %max3A_25 : vector<16xi32>
    %broadcast_in_dim3A_27 = arith.constant 15 : i32
    %broadcast_in_dim3A_28 = vector.broadcast %broadcast_in_dim3A_27 : i32 to vector<16xi32>
    %broadcast_in_dim3A_29 = arith.constant -1 : i32
    %broadcast_in_dim3A_30 = vector.broadcast %broadcast_in_dim3A_29 : i32 to vector<16xi32>
    %scan3A_31 = arith.constant 0 : i32
    %scan3A_32 = arith.constant 196 : i32
    %scan3A_33 = arith.addi %scan3A_31, %scan3A_32 : i32
    %scan3A_34 = arith.constant 1 : i32
    %scan3A_35:2 = scf.for %scan3A_44 = %scan3A_31 to %scan3A_33 step %scan3A_34 iter_args(%scan3A_45 = %broadcast_in_dim3A_6, %scan3A_46 = %broadcast_in_dim3A_30) -> (vector<16xf32>, vector<16xi32>)  : i32 {
      %mul3A_47 = arith.constant 16 : i32
      %mul3A_48 = arith.muli %scan3A_44, %mul3A_47 : i32
      %get3A = arith.index_cast %mul3A_48 : i32 to index
      %get3A_49 = tpu.vector_load %arg6[%get3A] {strides = array<i32>} : memref<3136xi32, #tpu.memory_space<vmem>>, vector<16xi32>,
      %get3A_50 = arith.index_cast %mul3A_48 : i32 to index
      %get3A_51 = tpu.vector_load %arg7[%get3A_50] {strides = array<i32>} : memref<3136xf32, #tpu.memory_space<vmem>>, vector<16xf32>,
      %eq3A_52 = arith.constant 15 : i32
      %eq3A_53 = vector.broadcast %eq3A_52 : i32 to vector<16xi32>
      %eq3A_54 = arith.cmpi eq, %iota3A, %eq3A_53 : vector<16xi32>
      %reshape3A = vector.shape_cast %min3A_22 : vector<16xi32> to vector<16x1xi32>
      %gather3A = vector.shape_cast %reshape3A : vector<16x1xi32> to vector<16xi32>
      %gather3A_55 = tpu.dynamic_gather %get3A_49[%gather3A] in [0] : vector<16xi32>, vector<16xi32> -> vector<16xi32>
      %jit3A = arith.constant -1 : i32
      %broadcast_in_dim3A_56 = vector.broadcast %jit3A : i32 to vector<16xi32>
      %select_n3A = arith.select %eq3A_54, %broadcast_in_dim3A_56, %gather3A_55 : vector<16xi1>, vector<16xi32>
      %eq3A_57 = arith.constant 0 : i32
      %eq3A_58 = vector.broadcast %eq3A_57 : i32 to vector<16xi32>
      %eq3A_59 = arith.cmpi eq, %iota3A, %eq3A_58 : vector<16xi32>
      %reshape3A_60 = vector.shape_cast %max3A_26 : vector<16xi32> to vector<16x1xi32>
      %gather3A_61 = vector.shape_cast %reshape3A_60 : vector<16x1xi32> to vector<16xi32>
      %gather3A_62 = tpu.dynamic_gather %get3A_49[%gather3A_61] in [0] : vector<16xi32>, vector<16xi32> -> vector<16xi32>
      %select_n3A_63 = arith.select %eq3A_59, %scan3A_46, %gather3A_62 : vector<16xi1>, vector<16xi32>
      %ne3A = arith.cmpi ne, %get3A_49, %select_n3A : vector<16xi32>
      %ne3A_64 = arith.cmpi ne, %get3A_49, %select_n3A_63 : vector<16xi32>
      %broadcast_in_dim3A_65 = arith.constant true
      %broadcast_in_dim3A_66 = vector.broadcast %broadcast_in_dim3A_65 : i1 to vector<16xi1>
      %masked_cumsum3A = tpu.scan <sum>, %get3A_51 masked %broadcast_in_dim3A_66 : vector<16xf32>, vector<16xi1> -> vector<16xf32>
      %add3A_67 = arith.addf %masked_cumsum3A, %scan3A_45 : vector<16xf32>
      %sub3A_68 = arith.subf %add3A_67, %get3A_51 : vector<16xf32>
      %mul3A_69 = arith.constant 16 : i32
      %mul3A_70 = arith.muli %scan3A_44, %mul3A_69 : i32
      %add3A_71 = arith.addi %mul3A_2, %mul3A_70 : i32
      %add3A_72 = vector.broadcast %add3A_71 : i32 to vector<16xi32>
      %add3A_73 = arith.addi %add3A_72, %iota3A : vector<16xi32>
      %convert_element_type3A_74 = arith.sitofp %add3A_73 : vector<16xi32> to vector<16xf32>
      tpu.vector_store_idx %arg8[%get3A_49], %add3A_67 masked %ne3A : memref<4112xf32, #tpu.memory_space<vmem>>[vector<16xi32>], vector<16xf32>, vector<16xi1>
      tpu.vector_store_idx %arg9[%get3A_49], %sub3A_68 masked %ne3A_64 : memref<4112xf32, #tpu.memory_space<vmem>>[vector<16xi32>], vector<16xf32>, vector<16xi1>
      %add3A_75 = arith.constant 1.000000e+00 : f32
      %add3A_76 = vector.broadcast %add3A_75 : f32 to vector<16xf32>
      %add3A_77 = arith.addf %convert_element_type3A_74, %add3A_76 : vector<16xf32>
      tpu.vector_store_idx %arg10[%get3A_49], %add3A_77 masked %ne3A : memref<4112xf32, #tpu.memory_space<vmem>>[vector<16xi32>], vector<16xf32>, vector<16xi1>
      tpu.vector_store_idx %arg11[%get3A_49], %convert_element_type3A_74 masked %ne3A_64 : memref<4112xf32, #tpu.memory_space<vmem>>[vector<16xi32>], vector<16xf32>, vector<16xi1>
      %reshape3A_78 = vector.shape_cast %broadcast_in_dim3A_28 : vector<16xi32> to vector<16x1xi32>
      %gather3A_79 = vector.shape_cast %reshape3A_78 : vector<16x1xi32> to vector<16xi32>
      %gather3A_80 = tpu.dynamic_gather %add3A_67[%gather3A_79] in [0] : vector<16xf32>, vector<16xi32> -> vector<16xf32>
      %reshape3A_81 = vector.shape_cast %broadcast_in_dim3A_28 : vector<16xi32> to vector<16x1xi32>
      %gather3A_82 = vector.shape_cast %reshape3A_81 : vector<16x1xi32> to vector<16xi32>
      %gather3A_83 = tpu.dynamic_gather %get3A_49[%gather3A_82] in [0] : vector<16xi32>, vector<16xi32> -> vector<16xi32>
      scf.yield %gather3A_80, %gather3A_83 : vector<16xf32>, vector<16xi32>
    }
    %scan3A_36 = arith.constant 196 : i32
    %scan3A_37 = arith.constant 0 : i32
    %scan3A_38 = arith.constant 0 : i32
    %scan3A_39 = arith.constant 256 : i32
    %scan3A_40 = arith.addi %scan3A_38, %scan3A_39 : i32
    %scan3A_41 = arith.constant 1 : i32
    %scan3A_42 = scf.for %scan3A_44 = %scan3A_38 to %scan3A_40 step %scan3A_41 iter_args(%scan3A_45 = %scan3A_37) -> (i32)  : i32 {
      %mul3A_46 = arith.constant 16 : i32
      %mul3A_47 = arith.muli %scan3A_44, %mul3A_46 : i32
      %get3A = arith.index_cast %mul3A_47 : i32 to index
      %get3A_48 = tpu.vector_load %arg8[%get3A] {strides = array<i32>} : memref<4112xf32, #tpu.memory_space<vmem>>, vector<16xf32>,
      %get3A_49 = arith.index_cast %mul3A_47 : i32 to index
      %get3A_50 = tpu.vector_load %arg9[%get3A_49] {strides = array<i32>} : memref<4112xf32, #tpu.memory_space<vmem>>, vector<16xf32>,
      %sub3A_51 = arith.subf %get3A_48, %get3A_50 : vector<16xf32>
      %swap3A = arith.index_cast %mul3A_47 : i32 to index
      %swap3A_52 = tpu.vector_load %arg8[%swap3A] {strides = array<i32>} : memref<4112xf32, #tpu.memory_space<vmem>>, vector<16xf32>,
      tpu.vector_store %arg8[%swap3A], %sub3A_51 {strides = array<i32>} : memref<4112xf32, #tpu.memory_space<vmem>>, vector<16xf32>,
      %get3A_53 = arith.index_cast %mul3A_47 : i32 to index
      %get3A_54 = tpu.vector_load %arg10[%get3A_53] {strides = array<i32>} : memref<4112xf32, #tpu.memory_space<vmem>>, vector<16xf32>,
      %get3A_55 = arith.index_cast %mul3A_47 : i32 to index
      %get3A_56 = tpu.vector_load %arg11[%get3A_55] {strides = array<i32>} : memref<4112xf32, #tpu.memory_space<vmem>>, vector<16xf32>,
      %sub3A_57 = arith.subf %get3A_54, %get3A_56 : vector<16xf32>
      %swap3A_58 = arith.index_cast %mul3A_47 : i32 to index
      %swap3A_59 = tpu.vector_load %arg10[%swap3A_58] {strides = array<i32>} : memref<4112xf32, #tpu.memory_space<vmem>>, vector<16xf32>,
      tpu.vector_store %arg10[%swap3A_58], %sub3A_57 {strides = array<i32>} : memref<4112xf32, #tpu.memory_space<vmem>>, vector<16xf32>,
      %scan3A_60 = arith.constant 0 : i32
      scf.yield %scan3A_60 : i32
    }
    %scan3A_43 = arith.constant 256 : i32
    "tpu.region"() ({
      %run_scoped3A = tpu.sem_alloc : memref<!tpu.dma_semaphore, #tpu.memory_space<semaphore_mem>>
      %dma_start3A = arith.constant 0 : i32
      %dma_start3A_44 = tpu.memref_slice %arg8[%dma_start3A] : memref<4112xf32, #tpu.memory_space<vmem>> -> memref<4096xf32, #tpu.memory_space<vmem>>
      %dma_start3A_45 = arith.constant 0 : i32
      %dma_start3A_46 = tpu.memref_slice %arg4[%add3A, %dma_start3A_45] : memref<32x4096xf32, #tpu.memory_space<hbm>> -> memref<1x4096xf32, #tpu.memory_space<hbm>>
      %dma_start3A_47 = tpu.memref_squeeze %dma_start3A_46 : memref<1x4096xf32, #tpu.memory_space<hbm>> -> memref<4096xf32, #tpu.memory_space<hbm>>
      %dma_start3A_48 = arith.constant 0 : i32
      %dma_start3A_49 = tpu.memref_slice %arg4[%add3A, %dma_start3A_48] : memref<32x4096xf32, #tpu.memory_space<hbm>> -> memref<1x4096xf32, #tpu.memory_space<hbm>>
      %dma_start3A_50 = tpu.memref_squeeze %dma_start3A_49 : memref<1x4096xf32, #tpu.memory_space<hbm>> -> memref<4096xf32, #tpu.memory_space<hbm>>
      %dma_start3A_51 = arith.constant 0 : i32
      %dma_start3A_52 = tpu.memref_slice %arg8[%dma_start3A_51] : memref<4112xf32, #tpu.memory_space<vmem>> -> memref<4096xf32, #tpu.memory_space<vmem>>
      tpu.enqueue_dma source(%dma_start3A_52 : memref<4096xf32, #tpu.memory_space<vmem>>) target(%dma_start3A_50 : memref<4096xf32, #tpu.memory_space<hbm>>) target_semaphore(%run_scoped3A : memref<!tpu.dma_semaphore, #tpu.memory_space<semaphore_mem>>)
      %dma_wait3A = arith.constant 0 : i32
      %dma_wait3A_53 = tpu.memref_slice %arg8[%dma_wait3A] : memref<4112xf32, #tpu.memory_space<vmem>> -> memref<4096xf32, #tpu.memory_space<vmem>>
      %dma_wait3A_54 = arith.constant 0 : i32
      %dma_wait3A_55 = tpu.memref_slice %arg4[%add3A, %dma_wait3A_54] : memref<32x4096xf32, #tpu.memory_space<hbm>> -> memref<1x4096xf32, #tpu.memory_space<hbm>>
      %dma_wait3A_56 = tpu.memref_squeeze %dma_wait3A_55 : memref<1x4096xf32, #tpu.memory_space<hbm>> -> memref<4096xf32, #tpu.memory_space<hbm>>
      %dma_wait3A_57 = arith.constant 0 : i32
      %dma_wait3A_58 = tpu.memref_slice %arg4[%add3A, %dma_wait3A_57] : memref<32x4096xf32, #tpu.memory_space<hbm>> -> memref<1x4096xf32, #tpu.memory_space<hbm>>
      %dma_wait3A_59 = tpu.memref_squeeze %dma_wait3A_58 : memref<1x4096xf32, #tpu.memory_space<hbm>> -> memref<4096xf32, #tpu.memory_space<hbm>>
      %dma_wait3A_60 = arith.constant 0 : i32
      %dma_wait3A_61 = tpu.memref_slice %arg8[%dma_wait3A_60] : memref<4112xf32, #tpu.memory_space<vmem>> -> memref<4096xf32, #tpu.memory_space<vmem>>
      tpu.wait_dma2 semaphore(%run_scoped3A : memref<!tpu.dma_semaphore, #tpu.memory_space<semaphore_mem>>) src(%dma_wait3A_61 : memref<4096xf32, #tpu.memory_space<vmem>>) dst(%dma_wait3A_59 : memref<4096xf32, #tpu.memory_space<hbm>>)
      tpu.yield
    }) : () -> ()
    "tpu.region"() ({
      %run_scoped3A = tpu.sem_alloc : memref<!tpu.dma_semaphore, #tpu.memory_space<semaphore_mem>>
      %dma_start3A = arith.constant 0 : i32
      %dma_start3A_44 = tpu.memref_slice %arg10[%dma_start3A] : memref<4112xf32, #tpu.memory_space<vmem>> -> memref<4096xf32, #tpu.memory_space<vmem>>
      %dma_start3A_45 = arith.constant 0 : i32
      %dma_start3A_46 = tpu.memref_slice %arg5[%add3A, %dma_start3A_45] : memref<32x4096xf32, #tpu.memory_space<hbm>> -> memref<1x4096xf32, #tpu.memory_space<hbm>>
      %dma_start3A_47 = tpu.memref_squeeze %dma_start3A_46 : memref<1x4096xf32, #tpu.memory_space<hbm>> -> memref<4096xf32, #tpu.memory_space<hbm>>
      %dma_start3A_48 = arith.constant 0 : i32
      %dma_start3A_49 = tpu.memref_slice %arg5[%add3A, %dma_start3A_48] : memref<32x4096xf32, #tpu.memory_space<hbm>> -> memref<1x4096xf32, #tpu.memory_space<hbm>>
      %dma_start3A_50 = tpu.memref_squeeze %dma_start3A_49 : memref<1x4096xf32, #tpu.memory_space<hbm>> -> memref<4096xf32, #tpu.memory_space<hbm>>
      %dma_start3A_51 = arith.constant 0 : i32
      %dma_start3A_52 = tpu.memref_slice %arg10[%dma_start3A_51] : memref<4112xf32, #tpu.memory_space<vmem>> -> memref<4096xf32, #tpu.memory_space<vmem>>
      tpu.enqueue_dma source(%dma_start3A_52 : memref<4096xf32, #tpu.memory_space<vmem>>) target(%dma_start3A_50 : memref<4096xf32, #tpu.memory_space<hbm>>) target_semaphore(%run_scoped3A : memref<!tpu.dma_semaphore, #tpu.memory_space<semaphore_mem>>)
      %dma_wait3A = arith.constant 0 : i32
      %dma_wait3A_53 = tpu.memref_slice %arg10[%dma_wait3A] : memref<4112xf32, #tpu.memory_space<vmem>> -> memref<4096xf32, #tpu.memory_space<vmem>>
      %dma_wait3A_54 = arith.constant 0 : i32
      %dma_wait3A_55 = tpu.memref_slice %arg5[%add3A, %dma_wait3A_54] : memref<32x4096xf32, #tpu.memory_space<hbm>> -> memref<1x4096xf32, #tpu.memory_space<hbm>>
      %dma_wait3A_56 = tpu.memref_squeeze %dma_wait3A_55 : memref<1x4096xf32, #tpu.memory_space<hbm>> -> memref<4096xf32, #tpu.memory_space<hbm>>
      %dma_wait3A_57 = arith.constant 0 : i32
      %dma_wait3A_58 = tpu.memref_slice %arg5[%add3A, %dma_wait3A_57] : memref<32x4096xf32, #tpu.memory_space<hbm>> -> memref<1x4096xf32, #tpu.memory_space<hbm>>
      %dma_wait3A_59 = tpu.memref_squeeze %dma_wait3A_58 : memref<1x4096xf32, #tpu.memory_space<hbm>> -> memref<4096xf32, #tpu.memory_space<hbm>>
      %dma_wait3A_60 = arith.constant 0 : i32
      %dma_wait3A_61 = tpu.memref_slice %arg10[%dma_wait3A_60] : memref<4112xf32, #tpu.memory_space<vmem>> -> memref<4096xf32, #tpu.memory_space<vmem>>
      tpu.wait_dma2 semaphore(%run_scoped3A : memref<!tpu.dma_semaphore, #tpu.memory_space<semaphore_mem>>) src(%dma_wait3A_61 : memref<4096xf32, #tpu.memory_space<vmem>>) dst(%dma_wait3A_59 : memref<4096xf32, #tpu.memory_space<hbm>>)
      tpu.yield
    }) : () -> ()
    return
  }
}

module attributes {stable_mosaic.version = 14 : i64} {
  func.func @_mlp_body(%arg0: i32, %arg1: memref<7168x256xf32, #tpu.memory_space<vmem>>, %arg2: memref<7168x256xf32, #tpu.memory_space<vmem>>, %arg3: memref<256x256xf32, #tpu.memory_space<vmem>>, %arg4: memref<1x256xf32, #tpu.memory_space<vmem>>, %arg5: memref<1x256xf32, #tpu.memory_space<vmem>>, %arg6: memref<1x1xf32, #tpu.memory_space<vmem>>, %arg7: memref<14336xf32, #tpu.memory_space<vmem>>) attributes {dimension_semantics = [#tpu.dimension_semantics<arbitrary>], iteration_bounds = array<i64: 7>, scalar_prefetch = 0 : i64, scratch_operands = 0 : i64, tpu.core_type = #tpu.core_type<tc>, window_params = [{transform_indices = @transform_0, window_bounds = array<i64: 7168, 256>}, {transform_indices = @transform_1, window_bounds = array<i64: 7168, 256>}, {pipeline_mode = #tpu.pipeline_mode<synchronous>, transform_indices = @transform_2, window_bounds = array<i64: 256, 256>}, {pipeline_mode = #tpu.pipeline_mode<synchronous>, transform_indices = @transform_3, window_bounds = array<i64: 1, 256>}, {pipeline_mode = #tpu.pipeline_mode<synchronous>, transform_indices = @transform_4, window_bounds = array<i64: 1, 256>}, {pipeline_mode = #tpu.pipeline_mode<synchronous>, transform_indices = @transform_5, window_bounds = array<i64: 1, 1>}, {transform_indices = @transform_6, window_bounds = array<i64: 14336>}]} {
    %get3A = arith.constant 0 : index
    %get3A_0 = arith.constant 0 : index
    %get3A_1 = vector.load %arg3[%get3A, %get3A_0] : memref<256x256xf32, #tpu.memory_space<vmem>>, vector<256x256xf32>
    %get3A_2 = arith.constant 0 : index
    %get3A_3 = arith.constant 0 : index
    %get3A_4 = vector.load %arg5[%get3A_2, %get3A_3] : memref<1x256xf32, #tpu.memory_space<vmem>>, vector<1x256xf32>
    %get3A_5 = arith.constant 0 : index
    %get3A_6 = arith.constant 0 : index
    %get3A_7 = vector.load %arg4[%get3A_5, %get3A_6] : memref<1x256xf32, #tpu.memory_space<vmem>>, vector<1x256xf32>
    %get3A_8 = arith.constant 0 : index
    %get3A_9 = arith.constant 0 : index
    %get3A_10 = vector.load %arg6[%get3A_8, %get3A_9] : memref<1x1xf32, #tpu.memory_space<vmem>>, vector<1x1xf32>
    %get3A_11 = vector.extract %get3A_10[0, 0] : f32 from vector<1x1xf32>
    %get3A_12 = arith.constant 0 : index
    %get3A_13 = arith.constant 0 : index
    %get3A_14 = vector.load %arg1[%get3A_12, %get3A_13] : memref<7168x256xf32, #tpu.memory_space<vmem>>, vector<7168x256xf32>
    %dot_general3A = arith.constant dense<0.000000e+00> : vector<7168x256xf32>
    %dot_general3A_15 = tpu.matmul %get3A_14, %get3A_1, %dot_general3A {dimension_numbers = #tpu.dot_dimension_numbers<[1], [0], [0], [1], [0, 0, 1, 1], [], []>, transpose_lhs_hint = false} : vector<7168x256xf32>, vector<256x256xf32>, vector<7168x256xf32> -> vector<7168x256xf32>
    %add3A = vector.broadcast %get3A_7 : vector<1x256xf32> to vector<7168x256xf32>
    %add3A_16 = arith.addf %dot_general3A_15, %add3A : vector<7168x256xf32>
    %max3A = arith.constant 0.000000e+00 : f32
    %max3A_17 = vector.broadcast %max3A : f32 to vector<7168x256xf32>
    %max3A_18 = arith.maximumf %add3A_16, %max3A_17 : vector<7168x256xf32>
    %dot_general3A_19 = arith.constant dense<0.000000e+00> : vector<1x7168xf32>
    %dot_general3A_20 = tpu.matmul %get3A_4, %max3A_18, %dot_general3A_19 {dimension_numbers = #tpu.dot_dimension_numbers<[1], [1], [0], [0], [0, 0, 1, 0], [], []>, transpose_lhs_hint = false} : vector<1x256xf32>, vector<7168x256xf32>, vector<1x7168xf32> -> vector<1x7168xf32>
    %squeeze3A = vector.shape_cast %dot_general3A_20 : vector<1x7168xf32> to vector<7168xf32>
    %add3A_21 = vector.broadcast %get3A_11 : f32 to vector<7168xf32>
    %add3A_22 = arith.addf %squeeze3A, %add3A_21 : vector<7168xf32>
    %swap3A = arith.constant 0 : index
    %swap3A_23 = vector.load %arg7[%swap3A] : memref<14336xf32, #tpu.memory_space<vmem>>, vector<7168xf32>
    tpu.vector_store %arg7[%swap3A], %add3A_22 {strides = array<i32>} : memref<14336xf32, #tpu.memory_space<vmem>>, vector<7168xf32>,
    %get3A_24 = arith.constant 0 : index
    %get3A_25 = arith.constant 0 : index
    %get3A_26 = vector.load %arg2[%get3A_24, %get3A_25] : memref<7168x256xf32, #tpu.memory_space<vmem>>, vector<7168x256xf32>
    %dot_general3A_27 = arith.constant dense<0.000000e+00> : vector<7168x256xf32>
    %dot_general3A_28 = tpu.matmul %get3A_26, %get3A_1, %dot_general3A_27 {dimension_numbers = #tpu.dot_dimension_numbers<[1], [0], [0], [1], [0, 0, 1, 1], [], []>, transpose_lhs_hint = false} : vector<7168x256xf32>, vector<256x256xf32>, vector<7168x256xf32> -> vector<7168x256xf32>
    %add3A_29 = vector.broadcast %get3A_7 : vector<1x256xf32> to vector<7168x256xf32>
    %add3A_30 = arith.addf %dot_general3A_28, %add3A_29 : vector<7168x256xf32>
    %max3A_31 = arith.constant 0.000000e+00 : f32
    %max3A_32 = vector.broadcast %max3A_31 : f32 to vector<7168x256xf32>
    %max3A_33 = arith.maximumf %add3A_30, %max3A_32 : vector<7168x256xf32>
    %dot_general3A_34 = arith.constant dense<0.000000e+00> : vector<1x7168xf32>
    %dot_general3A_35 = tpu.matmul %get3A_4, %max3A_33, %dot_general3A_34 {dimension_numbers = #tpu.dot_dimension_numbers<[1], [1], [0], [0], [0, 0, 1, 0], [], []>, transpose_lhs_hint = false} : vector<1x256xf32>, vector<7168x256xf32>, vector<1x7168xf32> -> vector<1x7168xf32>
    %squeeze3A_36 = vector.shape_cast %dot_general3A_35 : vector<1x7168xf32> to vector<7168xf32>
    %add3A_37 = vector.broadcast %get3A_11 : f32 to vector<7168xf32>
    %add3A_38 = arith.addf %squeeze3A_36, %add3A_37 : vector<7168xf32>
    %swap3A_39 = arith.constant 7168 : index
    %swap3A_40 = vector.load %arg7[%swap3A_39] : memref<14336xf32, #tpu.memory_space<vmem>>, vector<7168xf32>
    tpu.vector_store %arg7[%swap3A_39], %add3A_38 {strides = array<i32>} : memref<14336xf32, #tpu.memory_space<vmem>>, vector<7168xf32>,
    return
  }
  func.func @transform_0(%arg0: i32) -> (i32, i32) {
    %mul3A = arith.constant 2 : i32
    %mul3A_0 = arith.muli %mul3A, %arg0 : i32
    %c0_i32 = arith.constant 0 : i32
    %c0_i32_1 = arith.constant 0 : i32
    return %mul3A_0, %c0_i32 : i32, i32
  }
  func.func @transform_1(%arg0: i32) -> (i32, i32) {
    %mul3A = arith.constant 2 : i32
    %mul3A_0 = arith.muli %mul3A, %arg0 : i32
    %add3A = arith.constant 1 : i32
    %add3A_1 = arith.addi %mul3A_0, %add3A : i32
    %c0_i32 = arith.constant 0 : i32
    %c0_i32_2 = arith.constant 0 : i32
    return %add3A_1, %c0_i32 : i32, i32
  }
  func.func @transform_2(%arg0: i32) -> (i32, i32) {
    %c0_i32 = arith.constant 0 : i32
    %c0_i32_0 = arith.constant 0 : i32
    %c0_i32_1 = arith.constant 0 : i32
    return %c0_i32, %c0_i32_0 : i32, i32
  }
  func.func @transform_3(%arg0: i32) -> (i32, i32) {
    %c0_i32 = arith.constant 0 : i32
    %c0_i32_0 = arith.constant 0 : i32
    %c0_i32_1 = arith.constant 0 : i32
    return %c0_i32, %c0_i32_0 : i32, i32
  }
  func.func @transform_4(%arg0: i32) -> (i32, i32) {
    %c0_i32 = arith.constant 0 : i32
    %c0_i32_0 = arith.constant 0 : i32
    %c0_i32_1 = arith.constant 0 : i32
    return %c0_i32, %c0_i32_0 : i32, i32
  }
  func.func @transform_5(%arg0: i32) -> (i32, i32) {
    %c0_i32 = arith.constant 0 : i32
    %c0_i32_0 = arith.constant 0 : i32
    %c0_i32_1 = arith.constant 0 : i32
    return %c0_i32, %c0_i32_0 : i32, i32
  }
  func.func @transform_6(%arg0: i32) -> i32 {
    %c0_i32 = arith.constant 0 : i32
    return %arg0 : i32
  }
}

</mosaic_0001>

<sc_bundles>
// kernel: kernel.5.cloned.1.call-start
scs
__scs_entry_jumppad:
0x0: {  	(pc) =	sbr.rel $0x88, $3  }
0x1: {  	(tag) =	ssettag $0x0;
	lr =	simm.s32 $0x1  }
0x2: {  	[smem:$0x3F9B] =	sst lr;
	_ =	strace $0xD0000000  }
0x3: {  	_ = 	snop  }
0x4: {  	_ = 	snop  }
0x5: {  	_ = 	snop  }
0x6: {  	_ = 	snop  }
0x7: {  	_ = 	snop  }
__scs_overlays_trampoline_lowered:
0x8: {  	[smem:$0x3FAA] =	sst s0  }
0x9: {  	[smem:$0x3FAB] =	sst s1  }
0xa: {  	[smem:$0x3FAC] =	sst s2  }
0xb: {  	[smem:$0x3FAD] =	sst s3  }
0xc: {  	[smem:$0x3FAE] =	sst s4  }
0xd: {  	[smem:$0x3FAF] =	sst s5  }
0xe: {  	[smem:$0x3FB0] =	sst s6  }
0xf: {  	[smem:$0x3FB1] =	sst s7  }
0x10: {  	[smem:$0x3FB2] =	sst s8  }
0x11: {  	[smem:$0x3FB3] =	sst s9;
	s0 =	simm.s32 @!p0 $0x0  }
0x12: {  	s1 =	sld [smem:$0x3F99];
	s0 =	simm.s32 @p0 $0x1  }
0x13: {  	[smem:$0x3FB4] =	sst s0;
	s0 =	simm.s32 @!p1 $0x0  }
0x14: {  	s2 =	sld [smem:$0x3F98];
	s0 =	simm.s32 @p1 $0x1  }
0x15: {  	[smem:$0x3FB5] =	sst s0;
	s0 =	simm.s32 @!p2 $0x0  }
0x16: {  	s3 =	sld [smem:$0x3FDB];
	s0 =	simm.s32 @p2 $0x1  }
0x17: {  	s4 =	simm.s32 $0x1BF5;
	[smem:$0x3FB7] =	sst s0  }
0x18: {  	s0 =	sld [smem:$0x3F9A];
	_ =	swait.ge [sflag:s4], $0x0  }
0x19: {  	s7 =	sld [smem:$0x3F9B]  }
0x1a: {  	s8 =	sadd.s32 $0xFFFFE003, lr  }
0x1b: {  	s9 =	sadd.s32 $0xFFFFFEF7, lr;
	s5 =	simm.s32 $0xFFFFFFFF;
	p2 =	slt.u32 s8, $0xFFFFF086  }
0x1c: {  	p1 =	slt.u32 s9, $0xF7A;
	s5 =	simm.s32 @!p2 $0x0  }
0x1d: {  	s5 =	simm.s32 @p1 $0x1;
	p0 =	seq.s32 s7, s2  }
0x1e: {  	s7 =	smul.u32 @!p0 $0xF7A, s2;
	p2 =	seq.s32 @!p0 s5, $0x0  }
0x1f: {  	s9 =	smul.u32 $0xF7A, s1;
	s8 =	simm.s32 @!p0 $0x1BF5;
	p2 =	por !p2, p0  }
0x20: {  	[sflag:s8] =	ssyncset.s32 @!p0 $0xFFFFF086;
	s6 =	sadd.s32 @!p0 s3, s7;
	s7 =	simm.s32 @!p0 $0x108  }
0x21: {  	s3 =	sadd.s32 s3, s9;
	s6 =	sadd.s32 @!p0 $0x88, s6;
	s7 =	simm.s32 @p2 $0x1082  }
0x22: {  	[simem:s7], [sflag:s8] =	dma.local @!p0 [hbm:s6], $0xF7A  }
0x23: {  	s9 =	sor.u32 $0xD0000000, s2;
	s6 =	simm.s32 $0x108;
	_ =	swait.ge @!p0 [sflag:s8], $0x0  }
0x24: {  	s3 =	sadd.s32 $0x88, s3;
	s6 =	simm.s32 @!p1 $0x1082;
	[sflag:s4] =	ssyncset.s32 $0xFFFFF086  }
0x25: {  	[simem:s6], [sflag:s4] =	dma.local [hbm:s3], $0xF7A  }
0x26: {  	[smem:$0x3F9B] =	sst s1;
	(tag) =	ssettag s2;
	_ =	strace s9  }
0x27: {  	s1 =	sld [smem:$0x3FAB]  }
0x28: {  	s2 =	sld [smem:$0x3FAC]  }
0x29: {  	s4 =	sld [smem:$0x3FAE]  }
0x2a: {  	p0 =	seq.s32 s5, $0x0;
	s5 =	sld [smem:$0x3FAF]  }
0x2b: {  	s6 =	sld [smem:$0x3FB0]  }
0x2c: {  	s7 =	sld [smem:$0x3FB1]  }
0x2d: {  	s3 =	simm.s32 $0x108;
	s8 =	sld [smem:$0x3FB2]  }
0x2e: {  	s3 =	simm.s32 @!p0 $0x1082;
	s9 =	sld [smem:$0x3FB3]  }
0x2f: {  	lr =	sadd.s32 s0, s3;
	s0 =	sld [smem:$0x3FAA]  }
0x30: {  	s3 =	sld [smem:$0x3FAD]  }
0x31: {  	[smem:$0x3FB6] =	sst s10  }
0x32: {  	s10 =	sld [smem:$0x3FB4];
	_ =	sdelay $0x3  }
0x33: {  	p0 =	seq.s32 s10, $0x1;
	s10 =	sld [smem:$0x3FB6];
	_ =	sdelay $0x3  }
0x34: {  	[smem:$0x3FB6] =	sst s10  }
0x35: {  	s10 =	sld [smem:$0x3FB5];
	_ =	sdelay $0x3  }
0x36: {  	p1 =	seq.s32 s10, $0x1;
	s10 =	sld [smem:$0x3FB6];
	_ =	sdelay $0x3  }
0x37: {  	[smem:$0x3FB6] =	sst s10  }
0x38: {  	s10 =	sld [smem:$0x3FB7]  }
0x39: {  	_ = 	snop;
	(pc) =	sbr.ind lr, $3  }
0x3a: {  	_ = 	snop  }
0x3b: {  	_ = 	snop  }
0x3c: {  	p2 =	seq.s32 s10, $0x1;
	s10 =	sld [smem:$0x3FB6]  }
0x3d: {  	_ =	shalt  }
0x3e: {  	_ =	shalt  }
0x3f: {  	_ =	shalt  }
0x40: {  	_ =	shalt  }
0x41: {  	_ =	shalt  }
0x42: {  	_ =	shalt  }
0x43: {  	_ =	shalt  }
0x44: {  	_ =	shalt  }
0x45: {  	_ =	shalt  }
0x46: {  	_ =	shalt  }
0x47: {  	_ =	shalt  }
0x48: {  	_ =	shalt  }
0x49: {  	_ =	shalt  }
0x4a: {  	_ =	shalt  }
0x4b: {  	_ =	shalt  }
0x4c: {  	_ =	shalt  }
0x4d: {  	_ =	shalt  }
0x4e: {  	_ =	shalt  }
0x4f: {  	_ =	shalt  }
0x50: {  	_ =	shalt  }
0x51: {  	_ =	shalt  }
0x52: {  	_ =	shalt  }
0x53: {  	_ =	shalt  }
0x54: {  	_ =	shalt  }
0x55: {  	_ =	shalt  }
0x56: {  	_ =	shalt  }
0x57: {  	_ =	shalt  }
0x58: {  	_ =	shalt  }
0x59: {  	_ =	shalt  }
0x5a: {  	_ =	shalt  }
0x5b: {  	_ =	shalt  }
0x5c: {  	_ =	shalt  }
0x5d: {  	_ =	shalt  }
0x5e: {  	_ =	shalt  }
0x5f: {  	_ =	shalt  }
0x60: {  	_ =	shalt  }
0x61: {  	_ =	shalt  }
0x62: {  	_ =	shalt  }
0x63: {  	_ =	shalt  }
0x64: {  	_ =	shalt  }
0x65: {  	_ =	shalt  }
0x66: {  	_ =	shalt  }
0x67: {  	_ =	shalt  }
0x68: {  	_ =	shalt  }
0x69: {  	_ =	shalt  }
0x6a: {  	_ =	shalt  }
0x6b: {  	_ =	shalt  }
0x6c: {  	_ =	shalt  }
0x6d: {  	_ =	shalt  }
0x6e: {  	_ =	shalt  }
0x6f: {  	_ =	shalt  }
0x70: {  	_ =	shalt  }
0x71: {  	_ =	shalt  }
0x72: {  	_ =	shalt  }
0x73: {  	_ =	shalt  }
0x74: {  	_ =	shalt  }
0x75: {  	_ =	shalt  }
0x76: {  	_ =	shalt  }
0x77: {  	_ =	shalt  }
0x78: {  	_ =	shalt  }
0x79: {  	_ =	shalt  }
0x7a: {  	_ =	shalt  }
0x7b: {  	_ =	shalt  }
0x7c: {  	_ =	shalt  }
0x7d: {  	_ =	shalt  }
0x7e: {  	_ =	shalt  }
0x7f: {  	_ =	shalt  }
0x80: {  	_ =	shalt  }
0x81: {  	_ =	shalt  }
0x82: {  	_ =	shalt  }
0x83: {  	_ =	shalt  }
0x84: {  	_ =	shalt  }
0x85: {  	_ =	shalt  }
0x86: {  	_ =	shalt  }
0x87: {  	_ =	shalt  }
.Lfunc_end0:
.L_simem_size_0:
called_computation_lowered:
.L_overlay_start_0:
0x88: {  	s2 =	sld [smem:$0x3FD9]  }
0x89: {  	s3 =	sld [smem:$0x3FFE];
	_ =	sdelay $0x1  }
0x8a: {  	s1 =	srdreg.scid  }
0x8b: {  	s0 =	sand.u32 $0x1, s1  }
0x8c: {  	s17 =	sshll.u32 s0, $0xA;
	s2 =	sadd.s32 s3, s2  }
0x8d: {  	s2 =	sadd.s32 s2, s17  }
0x8e: {  	[smem:$0x3FC2] =	sst s2  }
0x8f: {  	_ = 	snop  }
0x90: {  	s2 =	sld [smem:$0x3FC8];
	(tm) =	ssettm $0x1  }
0x91: {  	s18 =	sld [smem:$0x3FFB];
	_ =	sdelay $0x3  }
0x92: {  	_ =	strace s18  }
0x93: {  	s3 =	sld [smem:$0x3FFC];
	_ =	sdelay $0x3  }
0x94: {  	_ =	strace s3  }
0x95: {  	s3 =	sld [smem:$0x3FFD];
	_ =	sdelay $0x3  }
0x96: {  	_ =	strace s3  }
0x97: {  	_ =	strace $0x8FFFFFFF  }
0x98: {  	s19 =	sld [smem:$0x3FDB];
	_ =	sdelay $0x1  }
0x99: {  	s4 =	simm.s32 $_scs_section_size  }
0x9a: {  	s5 =	simm.s32 $_size__tile_overlayer_lowered;
	s6 =	simm.s32 $_tile_overlayer_lowered  }
0x9b: {  	s22 =	simm.s32 $0x1BFF;
	s21 =	sshll.u32 s6, $0x1;
	s3 =	sadd.s32 s4, s19  }
0x9c: {  	s7 =	simm.s32 $0x0;
	s20 =	sshll.u32 s5, $0x1;
	s5 =	sadd.s32 s21, s3  }
0x9d: {  	[timem:s7], [sflag:s22] =	dma.local [hbm:s5], s20  }
0x9e: {  	_ =	swait.ge [sflag:s22], s20  }
0x9f: {  	s4 =	ssub.s32 $0x0, s20;
	[sflag:s22] =	ssyncset.done $0x0  }
0xa0: {  	[sflag:s22] =	ssyncadd.s32 s4;
	_ =	sdelay $0x1  }
0xa1: {  	s23 =	simm.s32 $0x1B8B  }
0xa2: {  	_ =	swait.ge [sflag:s23], $0x1  }
0xa3: {  	[sflag:s23] =	ssyncset.done $0x0  }
0xa4: {  	s25 =	simm.s32 $0x1B8E;
	s24 =	sld [smem:$0x3FFE];
	[sflag:s23] =	ssyncadd.s32 $0xFFFFFFFF  }
0xa5: {  	s26 =	simm.s32 $execute0_lowered;
	[smem:$0x3FD2] =	sst s25  }
0xa6: {  	s5 =	sshll.u32 s26, $0x1;
	_ =	strace $0x80000046;
	[dreg:$0x1] =	wrdreg $0xFFFFFFFF  }
0xa7: {  	s28 =	simm.s32 $_size_execute0_lowered;
	s3 =	sadd.s32 s3, s5;
	[dreg:$0x0] =	wrdreg $0x0  }
0xa8: {  	s5 =	sshll.u32 s28, $0x1;
	[dreg:$0x2] =	wrdreg s3  }
0xa9: {  	[dreg:$0x3] =	wrdreg s5  }
0xaa: {  	[dreg:$0x4] =	wrdreg $0xC0  }
0xab: {  	_ =	task [dreg:s7], $0x5FFFF  }
0xac: {  	[dreg:$0x1] =	wrdreg $0xFFFFFFFF  }
0xad: {  	[dreg:$0x0] =	wrdreg $0x60  }
0xae: {  	[dreg:$0x2] =	wrdreg s2  }
0xaf: {  	[dreg:$0x3] =	wrdreg s24  }
0xb0: {  	[dreg:$0x4] =	wrdreg $0x9  }
0xb1: {  	_ =	task.clear_ibuf [dreg:s7], $0x5FFFF;
	_ =	strace $0x90000046  }
0xb2: {  	s29 =	simm.s32 $0x9;
	_ =	strace $0x80000048  }
0xb3: {  	_ =	swait.ge [sflag:s29], $0x1  }
0xb4: {  	[sflag:s29] =	ssyncadd.s32 $0xFFFFFFFF  }
0xb5: {  	_ =	strace $0x90000048  }
0xb6: {  	_ =	sfence  }
0xb7: {  	s30 =	sld [smem:$0x0];
	_ =	sdelay $0x2  }
0xb8: {  	s31 =	sshll.u32 s1, $0xD;
	s1 =	sshrl.u32 s1, $0x2  }
0xb9: {  	s3 =	sand.u32 $0x4000, s31;
	s1 =	sadd.s32 s1, s30  }
0xba: {  	s0 =	sor.u32 s3, s0;
	s1 =	sshll.u32 s1, $0x11  }
0xbb: {  	s0 =	sor.u32 s1, s0  }
0xbc: {  	s0 =	sadd.s32 $0x8F2B, s0  }
0xbd: {  	[sflag:s0] =	ssyncadd.remote.s32 $0x1  }
0xbe: {  	_ =	sfence.sel $0xFFFF  }
0xbf: {  	[dreg:$0x0] =	wrdreg $0xFFFFFFFF;
	(pc) =	sbr.abs _section_cstart, $3  }
0xc0: {  	[dreg:$0x1] =	wrdreg $0xFFFFFFFF  }
0xc1: {  	_ =	task.clear_ibuf [dreg:s7], $0x2FFFF;
	_ =	strace $0x9FFFFFFF  }
0xc2: {  	(tm) =	ssettm $0x7FFFFFFF  }
0xc3: {  	_ =	shalt  }
tec
execute0_lowered:
.L_overlay_start_1:
0x0: {  	(tag) =	ssettag $0x1  }
0x1: {  	s5 =	rddreg [dreg:$0x0]  }
0x2: {  	s3 =	rddreg [dreg:$0x1]  }
0x3: {  	s0 =	rddreg [dreg:$0x2];
	s4 =	srdreg.scid  }
0x4: {  	s1 =	stileid.u32;
	s2 =	simm.s32 $0x0;
	s15 =	simm.s32 $0x3A00  }
0x5: {  	s16 =	simm.s32 $0x4A80;
	s17 =	simm.s32 $0x80;
	s18 =	simm.s32 $0x400  }
0x6: {  	s19 =	simm.s32 $0x0;
	s6 =	sand.u32 $0x1, s4;
	s26 =	sshll.u32 s1, $0x1  }
0x7: {  	[smem:$0x7FF] =	sst s2;
	s28 =	sshll.u32 s1, $0xA;
	s9 =	sadd.s32 $0xC00, s3  }
0x8: {  	s13 =	smul.u32 $0x1880, s1;
	s11 =	sor.u32 s6, s26;
	_ =	strace $0x80000047  }
0x9: {  	v0 =	vimm.s32 $0xFFEDCBA9;
	v1 =	vimm.s32 $0x87654321;
	s29 =	ssub.s32 $0x2, s6;
	s14 =	smul.u32 $0xC40, s6;
	s7 =	sshll.u32 s11, $0x4  }
0xa: {  	v2 =	vimm.s32 $0xEDCBA987;
	v3 =	vimm.s32 $0x65432100;
	s8 =	smul.u32 $0xC40, s11;
	s10 =	sshrl.u32 s29, $0x1;
	s4 =	sor.u32 s28, s7  }
0xb: {  	v0 =	vunpack.c.l.s4.s8 v0;
	v1 =	vunpack.c.l.s4.s8 v1;
	v2 =	vunpack.c.l.s4.s8 v2;
	p0 =	seq.s32 s11, $0x1F;
	s11 =	simm.s32 $0x1;
	s4 =	sand.u32 $0x3070, s4  }
0xc: {  	v3 =	vunpack.c.l.s4.s8 v3;
	s10 =	ssub.s32 s29, s10;
	s30 =	sshrl.u32 s8, $0x3;
	s12 =	sadd.s32 s4, s3  }
0xd: {  	v0 =	vunpack.c.0.s8.s32 v0;
	v1 =	vunpack.c.0.s8.s32 v1;
	v2 =	vunpack.c.0.s8.s32 v2;
	s3 =	sadd.s32 s5, s30;
	s31 =	sadd.s32 $0x15C, s30;
	s4 =	sadd.s32 s9, s30  }
0xe: {  	v3 =	vunpack.c.0.s8.s32 v3;
	s5 =	sadd.s32 s5, s31;
	s6 =	sadd.s32 s9, s31;
	s7 =	sadd.s32 $0x3E00, s12  }
0xf: {  	vm0 =	vmmov $0x1;
	v0 =	vcombine.low v1, v0;
	v2 =	vand.u32 $0xF, v2;
	s8 =	sadd.s32 $0x7E00, s12;
	s9 =	smax.u32 s10, $0x1;
	s10 =	sadd.s32 s14, s13  }
0x10: {  	v1 =	vlaneseq.u32;
	v2 =	vcombine.low v3, v2;
	v3 =	vimm.s32 $0xF;
	s12 =	simm.s32 $0xC80;
	s13 =	simm.s32 $0x1900;
	s14 =	simm.s32 $0x2980  }
.LBB2_1:
0x11: {  	[tilespmem:s2], [sflag:$0x1] =	stream.linear.gather [hbm4b:s3+s2], $0xAE0, $0x38;
	[tilespmem:$0x5B00] =	vst v63  }
0x12: {  	_ =	swait.ge [sflag:s11], $0xAE0  }
0x13: {  	[sflag:s11] =	ssyncset.done $0x0  }
0x14: {  	[sflag:s11] =	ssyncadd.s32 $0xFFFFF520  }
0x15: {  	[tilespmem:s12], [sflag:$0x1] =	stream.linear.gather [hbm4b:s4+s2], $0xAE0, $0x38;
	[tilespmem:$0x5B00] =	vst v63  }
0x16: {  	_ =	swait.ge [sflag:s11], $0xAE0  }
0x17: {  	[sflag:s11] =	ssyncset.done $0x0  }
0x18: {  	v4 =	vimm.s32 @p0 $0x1000;
	[sflag:s11] =	ssyncadd.s32 $0xFFFFF520  }
0x19: {  	v5 =	vimm.f32 @p0 $0.0e+00;
	[tilespmem:$0xAE0] =	vst @p0 v4  }
0x1a: {  	[tilespmem:$0x1760] =	vst @p0 v5  }
0x1b: {  	[tilespmem:$0xAF0] =	vst @p0 v4  }
0x1c: {  	[tilespmem:$0x1770] =	vst @p0 v5  }
0x1d: {  	[tilespmem:$0xB00] =	vst @p0 v4  }
0x1e: {  	[tilespmem:$0x1780] =	vst @p0 v5  }
0x1f: {  	[tilespmem:$0xB10] =	vst @p0 v4  }
0x20: {  	[tilespmem:$0x1790] =	vst @p0 v5  }
0x21: {  	[tilespmem:$0xB20] =	vst @p0 v4  }
0x22: {  	[tilespmem:$0x17A0] =	vst @p0 v5  }
0x23: {  	[tilespmem:$0xB30] =	vst @p0 v4  }
0x24: {  	[tilespmem:$0x17B0] =	vst @p0 v5  }
0x25: {  	[tilespmem:$0xB40] =	vst @p0 v4  }
0x26: {  	[tilespmem:$0x17C0] =	vst @p0 v5  }
0x27: {  	[tilespmem:$0xB50] =	vst @p0 v4  }
0x28: {  	[tilespmem:$0x17D0] =	vst @p0 v5  }
0x29: {  	[tilespmem:$0xB60] =	vst @p0 v4  }
0x2a: {  	[tilespmem:$0x17E0] =	vst @p0 v5  }
0x2b: {  	[tilespmem:$0xB70] =	vst @p0 v4  }
0x2c: {  	[tilespmem:$0x17F0] =	vst @p0 v5  }
0x2d: {  	[tilespmem:$0xB80] =	vst @p0 v4  }
0x2e: {  	[tilespmem:$0x1800] =	vst @p0 v5  }
0x2f: {  	[tilespmem:$0xB90] =	vst @p0 v4  }
0x30: {  	[tilespmem:$0x1810] =	vst @p0 v5  }
0x31: {  	[tilespmem:$0xBA0] =	vst @p0 v4  }
0x32: {  	[tilespmem:$0x1820] =	vst @p0 v5  }
0x33: {  	[tilespmem:$0xBB0] =	vst @p0 v4  }
0x34: {  	[tilespmem:$0x1830] =	vst @p0 v5  }
0x35: {  	[tilespmem:$0xBC0] =	vst @p0 v4  }
0x36: {  	[tilespmem:$0x1840] =	vst @p0 v5  }
0x37: {  	[tilespmem:$0xBD0] =	vst @p0 v4  }
0x38: {  	[tilespmem:$0x1850] =	vst @p0 v5  }
0x39: {  	[tilespmem:$0xBE0] =	vst @p0 v4  }
0x3a: {  	[tilespmem:$0x1860] =	vst @p0 v5  }
0x3b: {  	[tilespmem:$0xBF0] =	vst @p0 v4  }
0x3c: {  	[tilespmem:$0x1870] =	vst @p0 v5  }
0x3d: {  	[tilespmem:$0xC00] =	vst @p0 v4  }
0x3e: {  	[tilespmem:$0x1880] =	vst @p0 v5  }
0x3f: {  	[tilespmem:$0xC10] =	vst @p0 v4  }
0x40: {  	[tilespmem:$0x1890] =	vst @p0 v5  }
0x41: {  	[tilespmem:$0xC20] =	vst @p0 v4  }
0x42: {  	[tilespmem:$0x18A0] =	vst @p0 v5  }
0x43: {  	[tilespmem:$0xC30] =	vst @p0 v4  }
0x44: {  	s20 =	simm.s32 @!p0 $0x0;
	s21 =	simm.s32 @!p0 $0xAE0;
	[tilespmem:$0x18B0] =	vst @p0 v5  }
0x45: {  	[tilespmem:s21], [sflag:$0x1] =	stream.linear.gather @!p0 [hbm4b:s5+s20], $0x160, $0x38;
	[tilespmem:$0x5B00] =	vst v63  }
0x46: {  	s21 =	simm.s32 @!p0 $0x1  }
0x47: {  	_ =	swait.ge @!p0 [sflag:s21], $0x160  }
0x48: {  	[sflag:s21] =	ssyncset.done @!p0 $0x0  }
0x49: {  	s22 =	simm.s32 @!p0 $0x1760;
	[sflag:s21] =	ssyncadd.s32 @!p0 $0xFFFFFEA0  }
0x4a: {  	[tilespmem:s22], [sflag:$0x1] =	stream.linear.gather @!p0 [hbm4b:s6+s20], $0x160, $0x38;
	[tilespmem:$0x5B00] =	vst v63  }
0x4b: {  	_ =	swait.ge @!p0 [sflag:s21], $0x160  }
0x4c: {  	[sflag:s21] =	ssyncset.done @!p0 $0x0  }
0x4d: {  	s20 =	simm.s32 $0x0;
	[sflag:s21] =	ssyncadd.s32 @!p0 $0xFFFFFEA0  }
.LBB2_2:
0x4e: {  	p1 =	sne.s32 s20, $0x4000  }
.Ltmp0:
0x4f: {  	s21 =	sshra.s32 s20, $0x2;
	v5 =	vimm.f32 $0.0e+00;
	(pc) =	sbr.rel @p1 .LBB2_2-.Ltmp0, $4  }
0x50: {  	[tilespmem:s21+$0x1900] =	vst v5  }
0x51: {  	[tilespmem:s21+$0x2980] =	vst v5  }
0x52: {  	[tilespmem:s21+$0x3A00] =	vst v5  }
0x53: {  	s20 =	sadd.s32 $0x40, s20;
	[tilespmem:s21+$0x4A80] =	vst v5  }
0x54: {  	s20 =	simm.s32 $0x0  }
0x55: {  	v6 =	vld [tilespmem:s20+$0xC80];
	_ =	sdelay $0x4  }
0x56: {  	v4 =	vld [tilespmem:s20+$0x0];
	(xrf2) =	vadd.scan.msk.f32 $0xffff, v6;
	_ =	sdelay $0x4  }
0x57: {  	v7 =	vperm.xlane v4, v0  }
0x58: {  	vm1 =	veq.s32 v1, $0xF;
	v8 =	vperm.xlane v4, v2  }
0x59: {  	v9 =	vimm.s32 $0xFFFFFFFF;
	v7 =	vsel vm1, $0xFFFFFFFF, v7  }
0x5a: {  	v8 =	vsel vm0, v9, v8;
	vm3 =	vne.s32 v4, v7  }
0x5b: {  	vm2 =	vne.s32 v4, v8  }
0x5c: {  	v7, _, _ =	vpop (xrf2)  }
0x5d: {  	v5 =	vadd.f32 v7, v5;
	v7 =	vor.u32 s10, v1  }
0x5e: {  	v7 =	vcvt.s32.f32 v7  }
0x5f: {  	v6 =	vsub.f32 v5, v6  }
0x60: {  	[tilespmem:v4+s13+$0x0] =	vst.idx.msk vm3, v5;
	v8 =	vadd.f32 $1.000000000e+00, v7  }
0x61: {  	s23 =	simm.s32 $0x80;
	[tilespmem:v4+s14+$0x0] =	vst.idx.msk vm2, v6  }
0x62: {  	s22 =	simm.s32 $0x40;
	s21 =	smov.u32 s10;
	s20 =	simm.s32 $0x40;
	v5 =	vperm.xlane v5, v3;
	v6 =	vperm.xlane v4, v3;
	[tilespmem:v4+s15+$0x0] =	vst.idx.msk vm3, v8  }
.LBB2_4:
0x63: {  	s24 =	sshra.s32 s22, $0x2  }
0x64: {  	[tilespmem:v4+s16+$0x0] =	vst.idx.msk vm2, v7;
	s21 =	sadd.s32 $0x10, s21;
	s22 =	smov.u32 s23;
	s25 =	sadd.s32 $0x40, s23  }
0x65: {  	p1 =	sne.s32 s23, $0x30C0;
	v8 =	vld [tilespmem:s24+$0xC80];
	_ =	sdelay $0x4  }
0x66: {  	v4 =	vld [tilespmem:s24+$0x0];
	(xrf2) =	vadd.scan.msk.f32 $0xffff, v8;
	_ =	sdelay $0x4  }
0x67: {  	v7 =	vperm.xlane v4, v0;
	v9 =	vperm.xlane v4, v2  }
0x68: {  	v10 =	vperm.xlane v4, v3  }
0x69: {  	v7 =	vsel vm1, $0xFFFFFFFF, v7;
	v9 =	vsel vm0, v6, v9  }
0x6a: {  	v6 =	vmov v10;
	vm3 =	vne.s32 v4, v7  }
0x6b: {  	vm2 =	vne.s32 v4, v9  }
0x6c: {  	v7, _, _ =	vpop (xrf2)  }
0x6d: {  	v9 =	vadd.f32 v7, v5;
	v5 =	vor.u32 s21, v1  }
.Ltmp1:
0x6e: {  	v7 =	vcvt.s32.f32 v5;
	(pc) =	sbr.rel @p1 .LBB2_4-.Ltmp1, $4  }
0x6f: {  	v8 =	vsub.f32 v9, v8;
	v5 =	vperm.xlane v9, v3  }
0x70: {  	[tilespmem:v4+s13+$0x0] =	vst.idx.msk vm3, v9;
	v9 =	vadd.f32 $1.000000000e+00, v7  }
0x71: {  	[tilespmem:v4+s14+$0x0] =	vst.idx.msk vm2, v8  }
0x72: {  	s23 =	smov.u32 s25;
	[tilespmem:v4+s15+$0x0] =	vst.idx.msk vm3, v9  }
0x73: {  	_ =	sdelay $0x4  }
0x74: {  	s22 =	sshra.s32 s22, $0x2;
	[tilespmem:v4+s16+$0x0] =	vst.idx.msk vm2, v7  }
0x75: {  	v4 =	vld [tilespmem:s22+$0xC80];
	_ =	sdelay $0x4  }
0x76: {  	v7 =	vld [tilespmem:s22+$0x0];
	(xrf2) =	vadd.scan.msk.f32 $0xffff, v4;
	_ =	sdelay $0x4  }
0x77: {  	v8 =	vperm.xlane v7, v0;
	v9 =	vperm.xlane v7, v2  }
0x78: {  	vm1 =	veq.s32 v1, $0xF  }
0x79: {  	v8 =	vsel vm1, $0xFFFFFFFF, v8;
	v6 =	vsel vm0, v6, v9  }
0x7a: {  	vm1 =	vne.s32 v7, v8  }
0x7b: {  	vm2 =	vne.s32 v7, v6  }
0x7c: {  	s21 =	sadd.s32 $0x10, s21;
	v6, _, _ =	vpop (xrf2)  }
0x7d: {  	v5 =	vadd.f32 v6, v5;
	v6 =	vor.u32 s21, v1  }
0x7e: {  	v6 =	vcvt.s32.f32 v6  }
0x7f: {  	v4 =	vsub.f32 v5, v4  }
0x80: {  	[tilespmem:v7+s13+$0x0] =	vst.idx.msk vm1, v5;
	v5 =	vadd.f32 $1.000000000e+00, v6  }
0x81: {  	[tilespmem:v7+s14+$0x0] =	vst.idx.msk vm2, v4  }
0x82: {  	[tilespmem:v7+s15+$0x0] =	vst.idx.msk vm1, v5  }
0x83: {  	s21 =	simm.s32 $0x0;
	[tilespmem:v7+s16+$0x0] =	vst.idx.msk vm2, v6  }
0x84: {  	v4 =	vld [tilespmem:s21+$0x2980]  }
0x85: {  	v5 =	vld [tilespmem:s21+$0x4A80]  }
0x86: {  	v6 =	vld [tilespmem:s21+$0x1900]  }
.LBB2_6:
0x87: {  	p1 =	sne.s32 s20, $0x3FC0;
	v7 =	vld [tilespmem:s21+$0x3A00];
	_ =	sdelay $0x2  }
.Ltmp2:
0x88: {  	(pc) =	sbr.rel @p1 .LBB2_6-.Ltmp2, $4  }
0x89: {  	s22 =	sshra.s32 s20, $0x2;
	v6 =	vsub.f32 v6, v4  }
0x8a: {  	v4 =	vld [tilespmem:s22+$0x2980];
	v7 =	vsub.f32 v7, v5  }
0x8b: {  	v5 =	vld [tilespmem:s22+$0x4A80];
	[tilespmem:s21+$0x1900] =	vst v6  }
0x8c: {  	s20 =	sadd.s32 $0x40, s20;
	v6 =	vld [tilespmem:s22+$0x1900];
	[tilespmem:s21+$0x3A00] =	vst v7;
	s21 =	smov.u32 s22  }
0x8d: {  	v7 =	vld [tilespmem:s21+$0x3A00];
	_ =	sdelay $0x3  }
0x8e: {  	v4 =	vsub.f32 v6, v4  }
0x8f: {  	v5 =	vsub.f32 v7, v5  }
0x90: {  	[tilespmem:s21+$0x1900] =	vst v4  }
0x91: {  	[tilespmem:s21+$0x3A00] =	vst v5  }
0x92: {  	[hbm4b:s7+s17] =	stream.strided.scatter [tilespmem:s13], [sflag:$0x1], $0x1000, s18, s17, $0x38;
	[tilespmem:$0x5B00] =	vst v63  }
0x93: {  	s19 =	sadd.s32 $0x1, s19;
	_ =	swait.ge [sflag:s11], $0x1000  }
0x94: {  	p1 =	sne.s32 s19, s9;
	[sflag:s11] =	ssyncset.done $0x0  }
.Ltmp3:
0x95: {  	[sflag:s11] =	ssyncadd.s32 $0xFFFFF000;
	(pc) =	sbr.rel @p1 .LBB2_1-.Ltmp3, $4  }
0x96: {  	[hbm4b:s8+s17] =	stream.strided.scatter [tilespmem:s15], [sflag:$0x1], $0x1000, s18, s17, $0x38;
	[tilespmem:$0x5B00] =	vst v63  }
0x97: {  	_ =	swait.ge [sflag:s11], $0x1000  }
0x98: {  	[sflag:s11] =	ssyncset.done $0x0  }
0x99: {  	[sflag:s11] =	ssyncadd.s32 $0xFFFFF000  }
0x9a: {  	_ =	sfence.sel $0x180000  }
0x9b: {  	[bflag:$0x0] =	sbarrier.arrive $0xFFFF  }
0x9c: {  	p0 =	sne.s32 s1, $0x0;
	_ =	strace $0x90000047  }
0x9d: {  	s0 =	sadd.s32 @!p0 $0x100000, s0;
	[bflag:$0x2] =	sbarrier.arrive $0xFFFF  }
0x9e: {  	[sflag:s0] =	ssyncadd.tile.s32 @!p0 $0x1;
	_ =	shalt  }
.Lfunc_end2:
_tile_overlayer_lowered:
.L_overlay_start_2:
0x9f: {  	(tag) =	ssettag $0x2  }
0xa0: {  	s0 =	rddreg [dreg:$0x0];
	s2 =	stileid.u32  }
0xa1: {  	s1 =	rddreg [dreg:$0x1];
	p0 =	sne.s32 s2, $0x0  }
0xa2: {  	s3 =	rddreg [dreg:$0x2];
	[bflag:$0x3] =	sbarrier.arrive $0xFFFF;
	s2 =	simm.s32 @!p0 $0x1C01  }
0xa3: {  	[timem:s3], [sflag:s2] =	dma.local @!p0 [hbm:s0], s1  }
0xa4: {  	s0 =	simm.s32 @!p0 $0x1  }
0xa5: {  	_ =	swait.ge @!p0 [sflag:s0], s1  }
0xa6: {  	s1 =	ssub.s32 @!p0 $0x0, s1;
	[sflag:s0] =	ssyncset.done @!p0 $0x0  }
0xa7: {  	[sflag:s0] =	ssyncadd.s32 @!p0 s1  }
0xa8: {  	[bflag:$0x3] =	sbarrier.arrive $0xFFFF  }
0xa9: {  	_ =	shalt  }

// kernel: kernel.8.cloned.1.call-start
scs
__scs_entry_jumppad:
0x0: {  	(pc) =	sbr.rel $0x88, $3  }
0x1: {  	(tag) =	ssettag $0x0;
	lr =	simm.s32 $0x1  }
0x2: {  	[smem:$0x3F9B] =	sst lr;
	_ =	strace $0xD0000000  }
0x3: {  	_ = 	snop  }
0x4: {  	_ = 	snop  }
0x5: {  	_ = 	snop  }
0x6: {  	_ = 	snop  }
0x7: {  	_ = 	snop  }
__scs_overlays_trampoline_lowered:
0x8: {  	[smem:$0x3FAA] =	sst s0  }
0x9: {  	[smem:$0x3FAB] =	sst s1  }
0xa: {  	[smem:$0x3FAC] =	sst s2  }
0xb: {  	[smem:$0x3FAD] =	sst s3  }
0xc: {  	[smem:$0x3FAE] =	sst s4  }
0xd: {  	[smem:$0x3FAF] =	sst s5  }
0xe: {  	[smem:$0x3FB0] =	sst s6  }
0xf: {  	[smem:$0x3FB1] =	sst s7  }
0x10: {  	[smem:$0x3FB2] =	sst s8  }
0x11: {  	[smem:$0x3FB3] =	sst s9;
	s0 =	simm.s32 @!p0 $0x0  }
0x12: {  	s1 =	sld [smem:$0x3F99];
	s0 =	simm.s32 @p0 $0x1  }
0x13: {  	[smem:$0x3FB4] =	sst s0;
	s0 =	simm.s32 @!p1 $0x0  }
0x14: {  	s2 =	sld [smem:$0x3F98];
	s0 =	simm.s32 @p1 $0x1  }
0x15: {  	[smem:$0x3FB5] =	sst s0;
	s0 =	simm.s32 @!p2 $0x0  }
0x16: {  	s3 =	sld [smem:$0x3FDB];
	s0 =	simm.s32 @p2 $0x1  }
0x17: {  	s4 =	simm.s32 $0x1BF5;
	[smem:$0x3FB7] =	sst s0  }
0x18: {  	s0 =	sld [smem:$0x3F9A];
	_ =	swait.ge [sflag:s4], $0x0  }
0x19: {  	s7 =	sld [smem:$0x3F9B]  }
0x1a: {  	s8 =	sadd.s32 $0xFFFFE003, lr  }
0x1b: {  	s9 =	sadd.s32 $0xFFFFFEF7, lr;
	s5 =	simm.s32 $0xFFFFFFFF;
	p2 =	slt.u32 s8, $0xFFFFF086  }
0x1c: {  	p1 =	slt.u32 s9, $0xF7A;
	s5 =	simm.s32 @!p2 $0x0  }
0x1d: {  	s5 =	simm.s32 @p1 $0x1;
	p0 =	seq.s32 s7, s2  }
0x1e: {  	s7 =	smul.u32 @!p0 $0xF7A, s2;
	p2 =	seq.s32 @!p0 s5, $0x0  }
0x1f: {  	s9 =	smul.u32 $0xF7A, s1;
	s8 =	simm.s32 @!p0 $0x1BF5;
	p2 =	por !p2, p0  }
0x20: {  	[sflag:s8] =	ssyncset.s32 @!p0 $0xFFFFF086;
	s6 =	sadd.s32 @!p0 s3, s7;
	s7 =	simm.s32 @!p0 $0x108  }
0x21: {  	s3 =	sadd.s32 s3, s9;
	s6 =	sadd.s32 @!p0 $0x88, s6;
	s7 =	simm.s32 @p2 $0x1082  }
0x22: {  	[simem:s7], [sflag:s8] =	dma.local @!p0 [hbm:s6], $0xF7A  }
0x23: {  	s9 =	sor.u32 $0xD0000000, s2;
	s6 =	simm.s32 $0x108;
	_ =	swait.ge @!p0 [sflag:s8], $0x0  }
0x24: {  	s3 =	sadd.s32 $0x88, s3;
	s6 =	simm.s32 @!p1 $0x1082;
	[sflag:s4] =	ssyncset.s32 $0xFFFFF086  }
0x25: {  	[simem:s6], [sflag:s4] =	dma.local [hbm:s3], $0xF7A  }
0x26: {  	[smem:$0x3F9B] =	sst s1;
	(tag) =	ssettag s2;
	_ =	strace s9  }
0x27: {  	s1 =	sld [smem:$0x3FAB]  }
0x28: {  	s2 =	sld [smem:$0x3FAC]  }
0x29: {  	s4 =	sld [smem:$0x3FAE]  }
0x2a: {  	p0 =	seq.s32 s5, $0x0;
	s5 =	sld [smem:$0x3FAF]  }
0x2b: {  	s6 =	sld [smem:$0x3FB0]  }
0x2c: {  	s7 =	sld [smem:$0x3FB1]  }
0x2d: {  	s3 =	simm.s32 $0x108;
	s8 =	sld [smem:$0x3FB2]  }
0x2e: {  	s3 =	simm.s32 @!p0 $0x1082;
	s9 =	sld [smem:$0x3FB3]  }
0x2f: {  	lr =	sadd.s32 s0, s3;
	s0 =	sld [smem:$0x3FAA]  }
0x30: {  	s3 =	sld [smem:$0x3FAD]  }
0x31: {  	[smem:$0x3FB6] =	sst s10  }
0x32: {  	s10 =	sld [smem:$0x3FB4];
	_ =	sdelay $0x3  }
0x33: {  	p0 =	seq.s32 s10, $0x1;
	s10 =	sld [smem:$0x3FB6];
	_ =	sdelay $0x3  }
0x34: {  	[smem:$0x3FB6] =	sst s10  }
0x35: {  	s10 =	sld [smem:$0x3FB5];
	_ =	sdelay $0x3  }
0x36: {  	p1 =	seq.s32 s10, $0x1;
	s10 =	sld [smem:$0x3FB6];
	_ =	sdelay $0x3  }
0x37: {  	[smem:$0x3FB6] =	sst s10  }
0x38: {  	s10 =	sld [smem:$0x3FB7]  }
0x39: {  	_ = 	snop;
	(pc) =	sbr.ind lr, $3  }
0x3a: {  	_ = 	snop  }
0x3b: {  	_ = 	snop  }
0x3c: {  	p2 =	seq.s32 s10, $0x1;
	s10 =	sld [smem:$0x3FB6]  }
0x3d: {  	_ =	shalt  }
0x3e: {  	_ =	shalt  }
0x3f: {  	_ =	shalt  }
0x40: {  	_ =	shalt  }
0x41: {  	_ =	shalt  }
0x42: {  	_ =	shalt  }
0x43: {  	_ =	shalt  }
0x44: {  	_ =	shalt  }
0x45: {  	_ =	shalt  }
0x46: {  	_ =	shalt  }
0x47: {  	_ =	shalt  }
0x48: {  	_ =	shalt  }
0x49: {  	_ =	shalt  }
0x4a: {  	_ =	shalt  }
0x4b: {  	_ =	shalt  }
0x4c: {  	_ =	shalt  }
0x4d: {  	_ =	shalt  }
0x4e: {  	_ =	shalt  }
0x4f: {  	_ =	shalt  }
0x50: {  	_ =	shalt  }
0x51: {  	_ =	shalt  }
0x52: {  	_ =	shalt  }
0x53: {  	_ =	shalt  }
0x54: {  	_ =	shalt  }
0x55: {  	_ =	shalt  }
0x56: {  	_ =	shalt  }
0x57: {  	_ =	shalt  }
0x58: {  	_ =	shalt  }
0x59: {  	_ =	shalt  }
0x5a: {  	_ =	shalt  }
0x5b: {  	_ =	shalt  }
0x5c: {  	_ =	shalt  }
0x5d: {  	_ =	shalt  }
0x5e: {  	_ =	shalt  }
0x5f: {  	_ =	shalt  }
0x60: {  	_ =	shalt  }
0x61: {  	_ =	shalt  }
0x62: {  	_ =	shalt  }
0x63: {  	_ =	shalt  }
0x64: {  	_ =	shalt  }
0x65: {  	_ =	shalt  }
0x66: {  	_ =	shalt  }
0x67: {  	_ =	shalt  }
0x68: {  	_ =	shalt  }
0x69: {  	_ =	shalt  }
0x6a: {  	_ =	shalt  }
0x6b: {  	_ =	shalt  }
0x6c: {  	_ =	shalt  }
0x6d: {  	_ =	shalt  }
0x6e: {  	_ =	shalt  }
0x6f: {  	_ =	shalt  }
0x70: {  	_ =	shalt  }
0x71: {  	_ =	shalt  }
0x72: {  	_ =	shalt  }
0x73: {  	_ =	shalt  }
0x74: {  	_ =	shalt  }
0x75: {  	_ =	shalt  }
0x76: {  	_ =	shalt  }
0x77: {  	_ =	shalt  }
0x78: {  	_ =	shalt  }
0x79: {  	_ =	shalt  }
0x7a: {  	_ =	shalt  }
0x7b: {  	_ =	shalt  }
0x7c: {  	_ =	shalt  }
0x7d: {  	_ =	shalt  }
0x7e: {  	_ =	shalt  }
0x7f: {  	_ =	shalt  }
0x80: {  	_ =	shalt  }
0x81: {  	_ =	shalt  }
0x82: {  	_ =	shalt  }
0x83: {  	_ =	shalt  }
0x84: {  	_ =	shalt  }
0x85: {  	_ =	shalt  }
0x86: {  	_ =	shalt  }
0x87: {  	_ =	shalt  }
.Lfunc_end0:
.L_simem_size_0:
called_computation.1_lowered:
.L_overlay_start_0:
0x88: {  	s2 =	sld [smem:$0x3FD9]  }
0x89: {  	s3 =	sld [smem:$0x3FFE];
	_ =	sdelay $0x1  }
0x8a: {  	s1 =	srdreg.scid  }
0x8b: {  	s0 =	sand.u32 $0x1, s1  }
0x8c: {  	s17 =	sshll.u32 s0, $0xA;
	s2 =	sadd.s32 s3, s2  }
0x8d: {  	s2 =	sadd.s32 s2, s17  }
0x8e: {  	[smem:$0x3FC2] =	sst s2  }
0x8f: {  	_ = 	snop  }
0x90: {  	s2 =	sld [smem:$0x3FD0];
	(tm) =	ssettm $0x1  }
0x91: {  	s18 =	sld [smem:$0x3FFB];
	_ =	sdelay $0x3  }
0x92: {  	_ =	strace s18  }
0x93: {  	s3 =	sld [smem:$0x3FFC];
	_ =	sdelay $0x3  }
0x94: {  	_ =	strace s3  }
0x95: {  	s3 =	sld [smem:$0x3FFD];
	_ =	sdelay $0x3  }
0x96: {  	_ =	strace s3  }
0x97: {  	_ =	strace $0x8FFFFFFF  }
0x98: {  	s19 =	sld [smem:$0x3FDB];
	_ =	sdelay $0x1  }
0x99: {  	s4 =	simm.s32 $_scs_section_size  }
0x9a: {  	s5 =	simm.s32 $_size__tile_overlayer_lowered;
	s6 =	simm.s32 $_tile_overlayer_lowered  }
0x9b: {  	s22 =	simm.s32 $0x1BFF;
	s21 =	sshll.u32 s6, $0x1;
	s3 =	sadd.s32 s4, s19  }
0x9c: {  	s7 =	simm.s32 $0x0;
	s20 =	sshll.u32 s5, $0x1;
	s5 =	sadd.s32 s21, s3  }
0x9d: {  	[timem:s7], [sflag:s22] =	dma.local [hbm:s5], s20  }
0x9e: {  	_ =	swait.ge [sflag:s22], s20  }
0x9f: {  	s4 =	ssub.s32 $0x0, s20;
	[sflag:s22] =	ssyncset.done $0x0  }
0xa0: {  	[sflag:s22] =	ssyncadd.s32 s4;
	_ =	sdelay $0x1  }
0xa1: {  	s23 =	simm.s32 $0x1B8B  }
0xa2: {  	_ =	swait.ge [sflag:s23], $0x1  }
0xa3: {  	[sflag:s23] =	ssyncset.done $0x0  }
0xa4: {  	s25 =	simm.s32 $0x1B8E;
	s24 =	sld [smem:$0x3FFE];
	[sflag:s23] =	ssyncadd.s32 $0xFFFFFFFF  }
0xa5: {  	s26 =	simm.s32 $execute0_lowered;
	[smem:$0x3FD2] =	sst s25  }
0xa6: {  	s5 =	sshll.u32 s26, $0x1;
	_ =	strace $0x80000049;
	[dreg:$0x1] =	wrdreg $0xFFFFFFFF  }
0xa7: {  	s28 =	simm.s32 $_size_execute0_lowered;
	s3 =	sadd.s32 s3, s5;
	[dreg:$0x0] =	wrdreg $0x0  }
0xa8: {  	s5 =	sshll.u32 s28, $0x1;
	[dreg:$0x2] =	wrdreg s3  }
0xa9: {  	[dreg:$0x3] =	wrdreg s5  }
0xaa: {  	[dreg:$0x4] =	wrdreg $0xC0  }
0xab: {  	_ =	task [dreg:s7], $0x5FFFF  }
0xac: {  	[dreg:$0x1] =	wrdreg $0xFFFFFFFF  }
0xad: {  	[dreg:$0x0] =	wrdreg $0x60  }
0xae: {  	[dreg:$0x2] =	wrdreg s24  }
0xaf: {  	[dreg:$0x3] =	wrdreg s2  }
0xb0: {  	[dreg:$0x4] =	wrdreg $0x9  }
0xb1: {  	_ =	task.clear_ibuf [dreg:s7], $0x5FFFF;
	_ =	strace $0x90000049  }
0xb2: {  	s29 =	simm.s32 $0x9;
	_ =	strace $0x8000004B  }
0xb3: {  	_ =	swait.ge [sflag:s29], $0x1  }
0xb4: {  	[sflag:s29] =	ssyncadd.s32 $0xFFFFFFFF  }
0xb5: {  	_ =	strace $0x9000004B  }
0xb6: {  	_ =	sfence  }
0xb7: {  	s30 =	sld [smem:$0x0];
	_ =	sdelay $0x2  }
0xb8: {  	s31 =	sshll.u32 s1, $0xD;
	s1 =	sshrl.u32 s1, $0x2  }
0xb9: {  	s3 =	sand.u32 $0x4000, s31;
	s1 =	sadd.s32 s1, s30  }
0xba: {  	s0 =	sor.u32 s3, s0;
	s1 =	sshll.u32 s1, $0x11  }
0xbb: {  	s0 =	sor.u32 s1, s0  }
0xbc: {  	s0 =	sadd.s32 $0x8F2B, s0  }
0xbd: {  	[sflag:s0] =	ssyncadd.remote.s32 $0x1  }
0xbe: {  	_ =	sfence.sel $0xFFFF  }
0xbf: {  	[dreg:$0x0] =	wrdreg $0xFFFFFFFF;
	(pc) =	sbr.abs _section_cstart, $3  }
0xc0: {  	[dreg:$0x1] =	wrdreg $0xFFFFFFFF  }
0xc1: {  	_ =	task.clear_ibuf [dreg:s7], $0x2FFFF;
	_ =	strace $0x9FFFFFFF  }
0xc2: {  	(tm) =	ssettm $0x7FFFFFFF  }
0xc3: {  	_ =	shalt  }
tec
execute0_lowered:
.L_overlay_start_1:
0x0: {  	(tag) =	ssettag $0x1  }
0x1: {  	s3 =	rddreg [dreg:$0x0]  }
0x2: {  	s5 =	rddreg [dreg:$0x1]  }
0x3: {  	s0 =	rddreg [dreg:$0x2]  }
0x4: {  	s4 =	srdreg.scid;
	s1 =	stileid.u32  }
0x5: {  	s2 =	simm.s32 $0x0;
	s9 =	simm.s32 $0x1;
	s10 =	simm.s32 $0x2000  }
0x6: {  	s11 =	simm.s32 $0x0;
	s4 =	sand.u32 $0x1, s4;
	s6 =	sshll.u32 s1, $0x1  }
0x7: {  	[smem:$0x7FF] =	sst s2;
	s6 =	sor.u32 s4, s6;
	s4 =	ssub.s32 $0x2, s4  }
0x8: {  	_ =	strace $0x8000004A;
	s7 =	sshll.u32 s6, $0x7;
	s8 =	sshrl.u32 s4, $0x1  }
0x9: {  	s6 =	sshll.u32 s6, $0x4;
	s7 =	sadd.s32 s7, s3;
	s8 =	ssub.s32 s4, s8  }
0xa: {  	s5 =	sadd.s32 s5, s6;
	s3 =	sadd.s32 $0x3E00, s7;
	s4 =	sadd.s32 $0x7E00, s7  }
0xb: {  	s6 =	smax.u32 s8, $0x1;
	s7 =	simm.s32 $0x400;
	s8 =	simm.s32 $0x8000  }
.LBB2_1:
0xc: {  	[tilespmem:s2], [sflag:$0x1] =	stream.strided.gather [hbm4b:s3+s7], $0x1000, s8, s7, $0x38;
	[tilespmem:$0x2080] =	vst v63  }
0xd: {  	_ =	swait.ge [sflag:s9], $0x1000  }
0xe: {  	[sflag:s9] =	ssyncset.done $0x0  }
0xf: {  	s12 =	simm.s32 $0x1000;
	[sflag:s9] =	ssyncadd.s32 $0xFFFFF000  }
0x10: {  	[tilespmem:s12], [sflag:$0x1] =	stream.strided.gather [hbm4b:s4+s7], $0x1000, s8, s7, $0x38;
	[tilespmem:$0x2080] =	vst v63  }
0x11: {  	_ =	swait.ge [sflag:s9], $0x1000  }
0x12: {  	[sflag:s9] =	ssyncset.done $0x0  }
0x13: {  	s13 =	simm.s32 $0x0;
	s14 =	simm.s32 $0x0;
	[sflag:s9] =	ssyncadd.s32 $0xFFFFF000  }
.LBB2_2:
0x14: {  	v0 =	vmov s12  }
0x15: {  	v1 =	vmov s13;
	_ =	sdelay $0x2  }
0x16: {  	s17 =	simm.s32 $0x0  }
0x17: {  	v2 =	vld.idx.msk [tilespmem:v0+s17+$0x0 ss:$0x1], $0xffff  }
0x18: {  	s15 =	sshll.u32 s14, $0x4;
	v3 =	vimm.f32 $0.0e+00;
	s16 =	simm.s32 $0x200;
	v4 =	vimm.f32 $0.0e+00;
	v5 =	vld.idx.msk [tilespmem:v1+s17+$0x0 ss:$0x1], $0xffff  }
.LBB2_3:
0x19: {  	p0 =	sne.s32 s16, $0x3E00  }
.Ltmp0:
0x1a: {  	_ = 	snop;
	(pc) =	sbr.rel @p0 .LBB2_3-.Ltmp0, $4  }
0x1b: {  	_ = 	snop  }
0x1c: {  	s17 =	sshra.s32 s16, $0x2;
	s16 =	sadd.s32 $0x200, s16  }
0x1d: {  	v3 =	vadd.f32 v2, v3;
	v2 =	vld.idx.msk [tilespmem:v0+s17+$0x0 ss:$0x1], $0xffff  }
0x1e: {  	v4 =	vadd.f32 v5, v4;
	v5 =	vld.idx.msk [tilespmem:v1+s17+$0x0 ss:$0x1], $0xffff  }
0x1f: {  	_ =	sdelay $0x2  }
0x20: {  	v0 =	vadd.f32 v2, v3;
	_ =	sdelay $0x1  }
0x21: {  	v0 =	vmax.f32 v0, $1.000000000e+00  }
0x22: {  	(erf) = vrcp.f32 v0;
	_ =	sdelay $0x5  }
0x23: {  	s14 =	sadd.s32 $0x1, s14  }
0x24: {  	p0 =	sne.s32 s14, $0x8  }
.Ltmp1:
0x25: {  	v63 =	vadd.f32 v5, v4;
	(pc) =	sbr.rel @p0 .LBB2_2-.Ltmp1, $3  }
0x26: {  	v1 =	vpop (erf)  }
0x27: {  	v0 =	vmul.f32 v1, v63;
	_ =	sdelay $0x1  }
0x28: {  	s12 =	sadd.s32 $0x10, s12;
	s13 =	sadd.s32 $0x10, s13;
	[tilespmem:s15+$0x2000] =	vst v0  }
0x29: {  	s11 =	sadd.s32 $0x1, s11  }
0x2a: {  	p0 =	sne.s32 s11, s6  }
.Ltmp2:
0x2b: {  	_ = 	snop;
	(pc) =	sbr.rel @p0 .LBB2_1-.Ltmp2, $4  }
0x2c: {  	[hbm4b:s5+s2] =	stream.linear.scatter [tilespmem:s10], [sflag:$0x1], $0x80, $0x38;
	[tilespmem:$0x2080] =	vst v63  }
0x2d: {  	_ =	swait.ge [sflag:s9], $0x80  }
0x2e: {  	[sflag:s9] =	ssyncset.done $0x0  }
0x2f: {  	[sflag:s9] =	ssyncadd.s32 $0xFFFFFF80  }
0x30: {  	_ =	sfence.sel $0x180000  }
0x31: {  	[bflag:$0x0] =	sbarrier.arrive $0xFFFF  }
0x32: {  	p0 =	sne.s32 s1, $0x0;
	_ =	strace $0x9000004A  }
0x33: {  	s0 =	sadd.s32 @!p0 $0x100000, s0;
	[bflag:$0x2] =	sbarrier.arrive $0xFFFF  }
0x34: {  	[sflag:s0] =	ssyncadd.tile.s32 @!p0 $0x1;
	_ =	shalt  }
.Lfunc_end2:
_tile_overlayer_lowered:
.L_overlay_start_2:
0x35: {  	(tag) =	ssettag $0x2  }
0x36: {  	s0 =	rddreg [dreg:$0x0];
	s2 =	stileid.u32  }
0x37: {  	s1 =	rddreg [dreg:$0x1];
	p0 =	sne.s32 s2, $0x0  }
0x38: {  	s3 =	rddreg [dreg:$0x2];
	[bflag:$0x3] =	sbarrier.arrive $0xFFFF;
	s2 =	simm.s32 @!p0 $0x1C01  }
0x39: {  	[timem:s3], [sflag:s2] =	dma.local @!p0 [hbm:s0], s1  }
0x3a: {  	s0 =	simm.s32 @!p0 $0x1  }
0x3b: {  	_ =	swait.ge @!p0 [sflag:s0], s1  }
0x3c: {  	s1 =	ssub.s32 @!p0 $0x0, s1;
	[sflag:s0] =	ssyncset.done @!p0 $0x0  }
0x3d: {  	[sflag:s0] =	ssyncadd.s32 @!p0 s1  }
0x3e: {  	[bflag:$0x3] =	sbarrier.arrive $0xFFFF  }
0x3f: {  	_ =	shalt  }

</sc_bundles>
